<compile_context>
chip_gen: v7x
topology: tpu7x:2x2x1
jax: 0.10.2.dev20260603
libtpu: 0.0.44.dev20260713+nightly
codegen_flags: <defaults>
</compile_context>

<pallas_src>
import jax
import jax.numpy as jnp
from jax import lax
from jax.experimental import pallas as pl
from jax.experimental.pallas import tpu as pltpu
from jax.experimental.pallas import tpu_sc as plsc

MIN_KEPT_PER_BATCH = 100000

B = 16
H = 512
W = 512
N = B * H * W
NT = 16
KROW = 256
ROWS_PER_CHUNK = 8
CHUNK_W = ROWS_PER_CHUNK * W
NCHUNK = KROW // ROWS_PER_CHUNK
NBUCKET = 32768
HROW = NBUCKET // 128
SLICE_ROWS = HROW // NT


def _tc_keys_body(l_ref, g_ref, o_ref):
    x = l_ref[...]
    t = g_ref[...]
    loss = jnp.maximum(x, 0.0) - x * t + jnp.log1p(jnp.exp(-jnp.abs(x)))
    k = jnp.right_shift(lax.bitcast_convert_type(loss, jnp.int32), 16)
    a = k[:, : H // 2, :]
    b = k[:, H // 2:, :]
    o_ref[...] = a | lax.shift_left(b, 16)


def _tc_keys(logits3, gts3):
    return pl.pallas_call(
        _tc_keys_body,
        grid=(4,),
        in_specs=[
            pl.BlockSpec((B // 4, H, W), lambda i: (i, 0, 0)),
            pl.BlockSpec((B // 4, H, W), lambda i: (i, 0, 0)),
        ],
        out_specs=pl.BlockSpec((B // 4, KROW, W), lambda i: (i, 0, 0)),
        out_shape=jax.ShapeDtypeStruct((B, KROW, W), jnp.int32),
    )(logits3, gts3)


def _extract(vec, i):
    lanes = lax.iota(jnp.int32, 16)
    return jnp.sum(jnp.where(lanes == i, vec, 0.0))


def _mid_value(bucket_base, lanes):
    key = lax.shift_left(bucket_base + lanes, 16) | 0x8000
    return plsc.bitcast(key, jnp.float32)


def _sc_select(keys3, kept):
    kept_f = float(kept)

    def body(keys_hbm, out_hbm, bufa, bufb, cnt, scn_c, idx,
             rbuf, tbuf, sema, semb, merged_c, totals):
        s = lax.axis_index("s")
        wid = s
        ones = jnp.full((16,), 1.0, jnp.float32)
        zeros16 = jnp.zeros((16,), jnp.float32)
        lanes = lax.iota(jnp.int32, 16)

        def chunk_src(ci):
            return keys_hbm.at[s, pl.ds(ci * ROWS_PER_CHUNK, ROWS_PER_CHUNK), :]

        def start(ci, buf, sem):
            pltpu.make_async_copy(chunk_src(ci), buf, sem).start()

        def wait(ci, buf, sem):
            pltpu.make_async_copy(chunk_src(ci), buf, sem).wait()

        @plsc.parallel_loop(0, HROW, unroll=8)
        def _(r):
            for c in range(8):
                cnt[r, pl.ds(c * 16, 16)] = zeros16

        def fill_idx(h, _):
            def fv(i, _):
                idx[h, pl.ds(i * 16, 16)] = (
                    lax.iota(jnp.int32, 16) + h * 128 + i * 16)
                return 0
            lax.fori_loop(0, 8, fv, 0)
            return 0
        lax.fori_loop(0, HROW // 128, fill_idx, 0)

        @pl.when(wid == 0)
        def _():
            pltpu.sync_copy(cnt, merged_c)

        def process(buf):
            @plsc.parallel_loop(0, CHUNK_W // 16, unroll=8)
            def _(i):
                r = jnp.right_shift(i, 5)
                c = i & 31
                v = buf[r, pl.ds(c * 16, 16)]
                lo = v & 0xFFFF
                hi = lax.shift_right_logical(v, 16)
                plsc.addupdate_scatter(
                    cnt, [jnp.right_shift(lo, 7), lo & 127], ones)
                plsc.addupdate_scatter(
                    cnt, [jnp.right_shift(hi, 7), hi & 127], ones)

        start(0, bufa, sema)

        def pair(p, _):
            c0 = 2 * p
            wait(c0, bufa, sema)
            start(c0 + 1, bufb, semb)
            process(bufa)
            wait(c0 + 1, bufb, semb)

            @pl.when(c0 + 2 < NCHUNK)
            def _():
                start(c0 + 2, bufa, sema)

            process(bufb)
            return 0

        lax.fori_loop(0, NCHUNK // 2, pair, 0)

        plsc.subcore_barrier()

        for h in range(HROW // 128):
            pltpu.sync_copy(cnt.at[pl.ds(h * 128, 128), :],
                            merged_c.at[idx.at[h]], add=True)
        plsc.subcore_barrier()

        pltpu.sync_copy(merged_c.at[pl.ds(s * SLICE_ROWS, SLICE_ROWS), :],
                        scn_c)

        def tot(i, carry):
            vc, vs = carry
            r = jnp.right_shift(i, 3)
            c = i & 7
            cv = scn_c[r, pl.ds(c * 16, 16)]
            base = (s * SLICE_ROWS + r) * 128 + c * 16
            return (vc + cv, vs + cv * _mid_value(base, lanes))
        vc, vs = lax.fori_loop(0, SLICE_ROWS * 8, tot, (zeros16, zeros16))
        tc_ = jnp.sum(vc)
        ts_ = jnp.sum(vs)
        rbuf[...] = (jnp.where(lanes == 0, tc_, 0.0)
                     + jnp.where(lanes == 1, ts_, 0.0))
        pltpu.sync_copy(rbuf, totals.at[s])
        plsc.subcore_barrier()

        @pl.when(wid == 0)
        def _():
            pltpu.sync_copy(totals, tbuf)

            def coarse(t, carry):
                cum_c, cum_s, sstar, base_c, base_s = carry
                tt = NT - 1 - t
                rv = tbuf[tt]
                tcv = rv[0]
                tsv = rv[1]
                hit = jnp.logical_and(cum_c + tcv >= kept_f, sstar < 0)
                sstar = jnp.where(hit, tt, sstar)
                base_c = jnp.where(hit, cum_c, base_c)
                base_s = jnp.where(hit, cum_s, base_s)
                return (cum_c + tcv, cum_s + tsv, sstar, base_c, base_s)

            _, _, sstar, base_c, base_s = lax.fori_loop(
                0, NT, coarse,
                (0.0, 0.0, jnp.int32(-1), 0.0, 0.0))

            pltpu.sync_copy(
                merged_c.at[pl.ds(sstar * SLICE_ROWS, SLICE_ROWS), :], scn_c)

            def fine(j, carry):
                (cum_c, cum_s, found, cnt_ab, sum_ab, mstar) = carry
                r = SLICE_ROWS - 1 - jnp.right_shift(j, 3)
                cj = 7 - (j & 7)
                vcv = scn_c[r, pl.ds(cj * 16, 16)]
                base = (sstar * SLICE_ROWS + r) * 128 + cj * 16
                midv = _mid_value(base, lanes)
                vsv = vcv * midv
                rc = lax.rev(vcv, (0,))
                rs = lax.rev(vsv, (0,))
                rm = lax.rev(midv, (0,))
                cc = plsc.cumsum(rc)
                cs = plsc.cumsum(rs)
                sfx = cum_c + cc
                msk = sfx >= kept_f
                ntrue = plsc.all_reduce_population_count(msk)[0]
                i0 = 16 - ntrue
                cc_i = _extract(cc, i0)
                cs_i = _extract(cs, i0)
                rc_i = _extract(rc, i0)
                rs_i = _extract(rs, i0)
                rm_i = _extract(rm, i0)
                use = jnp.logical_and(ntrue > 0, jnp.logical_not(found))
                cnt_ab = jnp.where(use, cum_c + cc_i - rc_i, cnt_ab)
                sum_ab = jnp.where(use, cum_s + cs_i - rs_i, sum_ab)
                mstar = jnp.where(use, rm_i, mstar)
                found = jnp.logical_or(found, ntrue > 0)
                return (cum_c + cc[15], cum_s + cs[15], found,
                        cnt_ab, sum_ab, mstar)

            (_, _, _, cnt_ab, sum_ab, mstar) = lax.fori_loop(
                0, SLICE_ROWS * 8, fine,
                (base_c, base_s, jnp.bool_(False), 0.0, 0.0, 0.0))

            resid = kept_f - cnt_ab
            ans = jnp.full((16,), (sum_ab + resid * mstar) * (1.0 / kept_f),
                           jnp.float32)
            rbuf[...] = ans
            pltpu.sync_copy(rbuf, out_hbm)

    mesh = plsc.VectorSubcoreMesh(
        core_axis_name="c", subcore_axis_name="s", num_cores=1)
    f = pl.kernel(
        body,
        out_type=jax.ShapeDtypeStruct((16,), jnp.float32),
        mesh=mesh,
        compiler_params=pltpu.CompilerParams(needs_layout_passes=False),
        scratch_types=[
            pltpu.VMEM((ROWS_PER_CHUNK, W), jnp.int32),
            pltpu.VMEM((ROWS_PER_CHUNK, W), jnp.int32),
            pltpu.VMEM((HROW, 128), jnp.float32),
            pltpu.VMEM((SLICE_ROWS, 128), jnp.float32),
            pltpu.VMEM((HROW // 128, 128), jnp.int32),
            pltpu.VMEM((16,), jnp.float32),
            pltpu.VMEM((NT, 16), jnp.float32),
            pltpu.SemaphoreType.DMA,
            pltpu.SemaphoreType.DMA,
            pltpu.VMEM_SHARED((HROW, 128), jnp.float32),
            pltpu.VMEM_SHARED((NT, 16), jnp.float32),
        ],
    )
    return f(keys3)


@jax.jit
def kernel(logits, gts):
    kept = MIN_KEPT_PER_BATCH * gts.shape[0]
    l3 = logits.reshape(B, H, W)
    g3 = gts.reshape(B, H, W)
    keys = _tc_keys(l3, g3)
    out = _sc_select(keys, kept)
    return out[0]

# --- scband reference (transcript-rebuilt; emitter-appended) ---
"""Pipeline reference for scband-ohembceloss-26439818674785 (READ-ONLY COPY).

The authoritative reference and input builder live on the scoring server;
editing this copy changes nothing except your own understanding.
"""

import jax, jax.numpy as jnp
import numpy as np

MIN_KEPT_NUMEL = 100000


def _bce_with_logits(logits, targets):
    # numerically stable binary_cross_entropy_with_logits, reduction='none'
    return jnp.maximum(logits, 0.0) - logits * targets + jnp.log1p(jnp.exp(-jnp.abs(logits)))


def setup_inputs(seed: int = 0) -> dict:
    key = jax.random.key(seed)
    k1, k2 = jax.random.split(key)
    logits = jax.random.normal(k1, (16, 1, 512, 512), dtype=jnp.float32)
    gts = jax.random.uniform(k2, (16, 1, 512, 512), dtype=jnp.float32)
    return {"logits": logits, "gts": gts}


def reference(logits, gts):
    # threshold is None -> keep top batch_min_kept_numel highest-loss pixels
    batch_min_kept_numel = MIN_KEPT_NUMEL * gts.shape[0]
    bce_loss = _bce_with_logits(logits, gts)
    flatten_bce_loss = bce_loss.reshape(-1)
    # torch.no_grad() block: indices are constants w.r.t. autodiff
    indices = jnp.argsort(-jax.lax.stop_gradient(flatten_bce_loss))  # descending sort
    loss_indices = indices[:batch_min_kept_numel]
    loss = flatten_bce_loss[loss_indices]
    # reduction='mean'
    return jnp.mean(loss)

if __name__ == "__main__":
    import jax
    _d = setup_inputs()
    print(jax.jit(kernel)(*tuple(_d.values())))

</pallas_src>

<mosaic_0001>
#map = affine_map<(d0, d1) -> (0, 0, 0)>
#map1 = affine_map<(d0, d1) -> (0)>
module attributes {stable_mosaic.version = 14 : i64} {
  func.func @body(%arg0: i32, %arg1: i32, %arg2: memref<16x256x512xi32, #tpu.memory_space<hbm>>, %arg3: memref<16xf32, #tpu.memory_space<hbm>>, %arg4: memref<8x512xi32, #tpu.memory_space<vmem>>, %arg5: memref<8x512xi32, #tpu.memory_space<vmem>>, %arg6: memref<256x128xf32, #tpu.memory_space<vmem>>, %arg7: memref<16x128xf32, #tpu.memory_space<vmem>>, %arg8: memref<2x128xi32, #tpu.memory_space<vmem>>, %arg9: memref<16xf32, #tpu.memory_space<vmem>>, %arg10: memref<16x16xf32, #tpu.memory_space<vmem>>, %arg11: memref<!tpu.dma_semaphore, #tpu.memory_space<semaphore_mem>>, %arg12: memref<!tpu.dma_semaphore, #tpu.memory_space<semaphore_mem>>, %arg13: memref<256x128xf32, #tpu.memory_space<vmem_shared>>, %arg14: memref<16x16xf32, #tpu.memory_space<vmem_shared>>) attributes {dimension_semantics = [#tpu.dimension_semantics<core_parallel>, #tpu.dimension_semantics<subcore_parallel>], iteration_bounds = array<i64: 1, 16>, scalar_prefetch = 0 : i64, scratch_operands = 11 : i64, tpu.core_type = #tpu.core_type<sc_vector_subcore>, window_params = [{transform_indices = #map}, {transform_indices = #map1}]} {
    %broadcast_in_dim3A = arith.constant 1.000000e+00 : f32
    %broadcast_in_dim3A_0 = vector.broadcast %broadcast_in_dim3A : f32 to vector<16xf32>
    %broadcast_in_dim3A_1 = arith.constant 0.000000e+00 : f32
    %broadcast_in_dim3A_2 = vector.broadcast %broadcast_in_dim3A_1 : f32 to vector<16xf32>
    %iota3A = tpu.iota {dimensions = array<i32: 0>} : vector<16xi32>
    %parallel_loop3A = arith.constant 0 : i32
    %parallel_loop3A_3 = arith.constant 256 : i32
    %parallel_loop3A_4 = arith.constant 1 : i32
    scf.for %parallel_loop3A_62 = %parallel_loop3A to %parallel_loop3A_3 step %parallel_loop3A_4  : i32 {
      %parallel_loop3A_63 = arith.index_cast %parallel_loop3A_62 : i32 to index
      %parallel_loop3A_64 = arith.constant 0 : index
      %parallel_loop3A_65 = tpu.vector_load %arg6[%parallel_loop3A_63, %parallel_loop3A_64] {strides = array<i32>} : memref<256x128xf32, #tpu.memory_space<vmem>>, vector<16xf32>,
      tpu.vector_store %arg6[%parallel_loop3A_63, %parallel_loop3A_64], %broadcast_in_dim3A_2 {strides = array<i32>} : memref<256x128xf32, #tpu.memory_space<vmem>>, vector<16xf32>,
      %parallel_loop3A_66 = arith.index_cast %parallel_loop3A_62 : i32 to index
      %parallel_loop3A_67 = arith.constant 16 : index
      %parallel_loop3A_68 = tpu.vector_load %arg6[%parallel_loop3A_66, %parallel_loop3A_67] {strides = array<i32>} : memref<256x128xf32, #tpu.memory_space<vmem>>, vector<16xf32>,
      tpu.vector_store %arg6[%parallel_loop3A_66, %parallel_loop3A_67], %broadcast_in_dim3A_2 {strides = array<i32>} : memref<256x128xf32, #tpu.memory_space<vmem>>, vector<16xf32>,
      %parallel_loop3A_69 = arith.index_cast %parallel_loop3A_62 : i32 to index
      %parallel_loop3A_70 = arith.constant 32 : index
      %parallel_loop3A_71 = tpu.vector_load %arg6[%parallel_loop3A_69, %parallel_loop3A_70] {strides = array<i32>} : memref<256x128xf32, #tpu.memory_space<vmem>>, vector<16xf32>,
      tpu.vector_store %arg6[%parallel_loop3A_69, %parallel_loop3A_70], %broadcast_in_dim3A_2 {strides = array<i32>} : memref<256x128xf32, #tpu.memory_space<vmem>>, vector<16xf32>,
      %parallel_loop3A_72 = arith.index_cast %parallel_loop3A_62 : i32 to index
      %parallel_loop3A_73 = arith.constant 48 : index
      %parallel_loop3A_74 = tpu.vector_load %arg6[%parallel_loop3A_72, %parallel_loop3A_73] {strides = array<i32>} : memref<256x128xf32, #tpu.memory_space<vmem>>, vector<16xf32>,
      tpu.vector_store %arg6[%parallel_loop3A_72, %parallel_loop3A_73], %broadcast_in_dim3A_2 {strides = array<i32>} : memref<256x128xf32, #tpu.memory_space<vmem>>, vector<16xf32>,
      %parallel_loop3A_75 = arith.index_cast %parallel_loop3A_62 : i32 to index
      %parallel_loop3A_76 = arith.constant 64 : index
      %parallel_loop3A_77 = tpu.vector_load %arg6[%parallel_loop3A_75, %parallel_loop3A_76] {strides = array<i32>} : memref<256x128xf32, #tpu.memory_space<vmem>>, vector<16xf32>,
      tpu.vector_store %arg6[%parallel_loop3A_75, %parallel_loop3A_76], %broadcast_in_dim3A_2 {strides = array<i32>} : memref<256x128xf32, #tpu.memory_space<vmem>>, vector<16xf32>,
      %parallel_loop3A_78 = arith.index_cast %parallel_loop3A_62 : i32 to index
      %parallel_loop3A_79 = arith.constant 80 : index
      %parallel_loop3A_80 = tpu.vector_load %arg6[%parallel_loop3A_78, %parallel_loop3A_79] {strides = array<i32>} : memref<256x128xf32, #tpu.memory_space<vmem>>, vector<16xf32>,
      tpu.vector_store %arg6[%parallel_loop3A_78, %parallel_loop3A_79], %broadcast_in_dim3A_2 {strides = array<i32>} : memref<256x128xf32, #tpu.memory_space<vmem>>, vector<16xf32>,
      %parallel_loop3A_81 = arith.index_cast %parallel_loop3A_62 : i32 to index
      %parallel_loop3A_82 = arith.constant 96 : index
      %parallel_loop3A_83 = tpu.vector_load %arg6[%parallel_loop3A_81, %parallel_loop3A_82] {strides = array<i32>} : memref<256x128xf32, #tpu.memory_space<vmem>>, vector<16xf32>,
      tpu.vector_store %arg6[%parallel_loop3A_81, %parallel_loop3A_82], %broadcast_in_dim3A_2 {strides = array<i32>} : memref<256x128xf32, #tpu.memory_space<vmem>>, vector<16xf32>,
      %parallel_loop3A_84 = arith.index_cast %parallel_loop3A_62 : i32 to index
      %parallel_loop3A_85 = arith.constant 112 : index
      %parallel_loop3A_86 = tpu.vector_load %arg6[%parallel_loop3A_84, %parallel_loop3A_85] {strides = array<i32>} : memref<256x128xf32, #tpu.memory_space<vmem>>, vector<16xf32>,
      tpu.vector_store %arg6[%parallel_loop3A_84, %parallel_loop3A_85], %broadcast_in_dim3A_2 {strides = array<i32>} : memref<256x128xf32, #tpu.memory_space<vmem>>, vector<16xf32>,
    } {sc.loop_unroll_factor = 8 : i64, sc.parallel_access}
    %scan3A = arith.constant 0 : i32
    %scan3A_5 = arith.constant 0 : i32
    %scan3A_6 = arith.constant 2 : i32
    %scan3A_7 = arith.addi %scan3A_5, %scan3A_6 : i32
    %scan3A_8 = arith.constant 1 : i32
    %scan3A_9 = scf.for %scan3A_62 = %scan3A_5 to %scan3A_7 step %scan3A_8 iter_args(%scan3A_63 = %scan3A) -> (i32)  : i32 {
      %scan3A_64 = arith.constant 0 : i32
      %scan3A_65 = arith.constant 0 : i32
      %scan3A_66 = arith.constant 8 : i32
      %scan3A_67 = arith.addi %scan3A_65, %scan3A_66 : i32
      %scan3A_68 = arith.constant 1 : i32
      %scan3A_69 = scf.for %scan3A_72 = %scan3A_65 to %scan3A_67 step %scan3A_68 iter_args(%scan3A_73 = %scan3A_64) -> (i32)  : i32 {
        %iota3A_74 = tpu.iota {dimensions = array<i32: 0>} : vector<16xi32>
        %mul3A_75 = arith.constant 128 : i32
        %mul3A_76 = arith.muli %scan3A_62, %mul3A_75 : i32
        %add3A_77 = vector.broadcast %mul3A_76 : i32 to vector<16xi32>
        %add3A_78 = arith.addi %iota3A_74, %add3A_77 : vector<16xi32>
        %mul3A_79 = arith.constant 16 : i32
        %mul3A_80 = arith.muli %scan3A_72, %mul3A_79 : i32
        %add3A_81 = vector.broadcast %mul3A_80 : i32 to vector<16xi32>
        %add3A_82 = arith.addi %add3A_78, %add3A_81 : vector<16xi32>
        %mul3A_83 = arith.constant 16 : i32
        %mul3A_84 = arith.muli %scan3A_72, %mul3A_83 : i32
        %swap3A_85 = arith.index_cast %scan3A_62 : i32 to index
        %swap3A_86 = arith.index_cast %mul3A_84 : i32 to index
        %swap3A_87 = tpu.vector_load %arg8[%swap3A_85, %swap3A_86] {strides = array<i32>} : memref<2x128xi32, #tpu.memory_space<vmem>>, vector<16xi32>,
        tpu.vector_store %arg8[%swap3A_85, %swap3A_86], %add3A_82 {strides = array<i32>} : memref<2x128xi32, #tpu.memory_space<vmem>>, vector<16xi32>,
        %scan3A_88 = arith.constant 0 : i32
        scf.yield %scan3A_88 : i32
      }
      %scan3A_70 = arith.constant 8 : i32
      %scan3A_71 = arith.constant 0 : i32
      scf.yield %scan3A_71 : i32
    }
    %scan3A_10 = arith.constant 2 : i32
    %eq3A = arith.constant 0 : i32
    %eq3A_11 = arith.cmpi eq, %arg1, %eq3A : i32
    %convert_element_type3A = arith.extui %eq3A_11 : i1 to i32
    %cond3A = arith.constant 0 : i32
    %cond3A_12 = arith.cmpi ne, %convert_element_type3A, %cond3A : i32
    scf.if %cond3A_12 {
      "tpu.region"() ({
        %run_scoped3A_62 = tpu.sem_alloc : memref<!tpu.dma_semaphore, #tpu.memory_space<semaphore_mem>>
        tpu.enqueue_dma source(%arg6 : memref<256x128xf32, #tpu.memory_space<vmem>>) target(%arg13 : memref<256x128xf32, #tpu.memory_space<vmem_shared>>) target_semaphore(%run_scoped3A_62 : memref<!tpu.dma_semaphore, #tpu.memory_space<semaphore_mem>>)
        tpu.wait_dma2 semaphore(%run_scoped3A_62 : memref<!tpu.dma_semaphore, #tpu.memory_space<semaphore_mem>>) src(%arg6 : memref<256x128xf32, #tpu.memory_space<vmem>>) dst(%arg13 : memref<256x128xf32, #tpu.memory_space<vmem_shared>>)
        tpu.yield
      }) : () -> ()
    } else {
    }
    %dma_start3A = arith.constant 0 : i32
    %dma_start3A_13 = arith.constant 0 : i32
    %dma_start3A_14 = tpu.memref_slice %arg2[%arg1, %dma_start3A, %dma_start3A_13] : memref<16x256x512xi32, #tpu.memory_space<hbm>> -> memref<1x8x512xi32, #tpu.memory_space<hbm>>
    %dma_start3A_15 = tpu.memref_squeeze %dma_start3A_14 : memref<1x8x512xi32, #tpu.memory_space<hbm>> -> memref<8x512xi32, #tpu.memory_space<hbm>>
    %dma_start3A_16 = arith.constant 0 : i32
    %dma_start3A_17 = arith.constant 0 : i32
    %dma_start3A_18 = tpu.memref_slice %arg2[%arg1, %dma_start3A_16, %dma_start3A_17] : memref<16x256x512xi32, #tpu.memory_space<hbm>> -> memref<1x8x512xi32, #tpu.memory_space<hbm>>
    %dma_start3A_19 = tpu.memref_squeeze %dma_start3A_18 : memref<1x8x512xi32, #tpu.memory_space<hbm>> -> memref<8x512xi32, #tpu.memory_space<hbm>>
    tpu.enqueue_dma source(%dma_start3A_19 : memref<8x512xi32, #tpu.memory_space<hbm>>) target(%arg4 : memref<8x512xi32, #tpu.memory_space<vmem>>) target_semaphore(%arg11 : memref<!tpu.dma_semaphore, #tpu.memory_space<semaphore_mem>>)
    %scan3A_20 = arith.constant 0 : i32
    %scan3A_21 = arith.constant 0 : i32
    %scan3A_22 = arith.constant 16 : i32
    %scan3A_23 = arith.addi %scan3A_21, %scan3A_22 : i32
    %scan3A_24 = arith.constant 1 : i32
    %scan3A_25 = scf.for %scan3A_62 = %scan3A_21 to %scan3A_23 step %scan3A_24 iter_args(%scan3A_63 = %scan3A_20) -> (i32)  : i32 {
      %mul3A_64 = arith.constant 2 : i32
      %mul3A_65 = arith.muli %mul3A_64, %scan3A_62 : i32
      %mul3A_66 = arith.constant 8 : i32
      %mul3A_67 = arith.muli %mul3A_65, %mul3A_66 : i32
      %dma_wait3A = arith.constant 0 : i32
      %dma_wait3A_68 = tpu.memref_slice %arg2[%arg1, %mul3A_67, %dma_wait3A] : memref<16x256x512xi32, #tpu.memory_space<hbm>> -> memref<1x8x512xi32, #tpu.memory_space<hbm>>
      %dma_wait3A_69 = tpu.memref_squeeze %dma_wait3A_68 : memref<1x8x512xi32, #tpu.memory_space<hbm>> -> memref<8x512xi32, #tpu.memory_space<hbm>>
      %dma_wait3A_70 = arith.constant 0 : i32
      %dma_wait3A_71 = tpu.memref_slice %arg2[%arg1, %mul3A_67, %dma_wait3A_70] : memref<16x256x512xi32, #tpu.memory_space<hbm>> -> memref<1x8x512xi32, #tpu.memory_space<hbm>>
      %dma_wait3A_72 = tpu.memref_squeeze %dma_wait3A_71 : memref<1x8x512xi32, #tpu.memory_space<hbm>> -> memref<8x512xi32, #tpu.memory_space<hbm>>
      tpu.wait_dma2 semaphore(%arg11 : memref<!tpu.dma_semaphore, #tpu.memory_space<semaphore_mem>>) src(%dma_wait3A_72 : memref<8x512xi32, #tpu.memory_space<hbm>>) dst(%arg4 : memref<8x512xi32, #tpu.memory_space<vmem>>)
      %add3A_73 = arith.constant 1 : i32
      %add3A_74 = arith.addi %mul3A_65, %add3A_73 : i32
      %mul3A_75 = arith.constant 8 : i32
      %mul3A_76 = arith.muli %add3A_74, %mul3A_75 : i32
      %dma_start3A_77 = arith.constant 0 : i32
      %dma_start3A_78 = tpu.memref_slice %arg2[%arg1, %mul3A_76, %dma_start3A_77] : memref<16x256x512xi32, #tpu.memory_space<hbm>> -> memref<1x8x512xi32, #tpu.memory_space<hbm>>
      %dma_start3A_79 = tpu.memref_squeeze %dma_start3A_78 : memref<1x8x512xi32, #tpu.memory_space<hbm>> -> memref<8x512xi32, #tpu.memory_space<hbm>>
      %dma_start3A_80 = arith.constant 0 : i32
      %dma_start3A_81 = tpu.memref_slice %arg2[%arg1, %mul3A_76, %dma_start3A_80] : memref<16x256x512xi32, #tpu.memory_space<hbm>> -> memref<1x8x512xi32, #tpu.memory_space<hbm>>
      %dma_start3A_82 = tpu.memref_squeeze %dma_start3A_81 : memref<1x8x512xi32, #tpu.memory_space<hbm>> -> memref<8x512xi32, #tpu.memory_space<hbm>>
      tpu.enqueue_dma source(%dma_start3A_82 : memref<8x512xi32, #tpu.memory_space<hbm>>) target(%arg5 : memref<8x512xi32, #tpu.memory_space<vmem>>) target_semaphore(%arg12 : memref<!tpu.dma_semaphore, #tpu.memory_space<semaphore_mem>>)
      %parallel_loop3A_83 = arith.constant 0 : i32
      %parallel_loop3A_84 = arith.constant 256 : i32
      %parallel_loop3A_85 = arith.constant 1 : i32
      scf.for %parallel_loop3A_106 = %parallel_loop3A_83 to %parallel_loop3A_84 step %parallel_loop3A_85  : i32 {
        %parallel_loop3A_107 = arith.constant 5 : i32
        %parallel_loop3A_108 = arith.shrsi %parallel_loop3A_106, %parallel_loop3A_107 : i32
        %parallel_loop3A_109 = arith.constant 31 : i32
        %parallel_loop3A_110 = arith.andi %parallel_loop3A_106, %parallel_loop3A_109 : i32
        %parallel_loop3A_111 = arith.constant 16 : i32
        %parallel_loop3A_112 = arith.muli %parallel_loop3A_110, %parallel_loop3A_111 : i32
        %parallel_loop3A_113 = arith.index_cast %parallel_loop3A_108 : i32 to index
        %parallel_loop3A_114 = arith.index_cast %parallel_loop3A_112 : i32 to index
        %parallel_loop3A_115 = tpu.vector_load %arg4[%parallel_loop3A_113, %parallel_loop3A_114] {strides = array<i32>} : memref<8x512xi32, #tpu.memory_space<vmem>>, vector<16xi32>,
        %parallel_loop3A_116 = arith.constant 65535 : i32
        %parallel_loop3A_117 = vector.broadcast %parallel_loop3A_116 : i32 to vector<16xi32>
        %parallel_loop3A_118 = arith.andi %parallel_loop3A_115, %parallel_loop3A_117 : vector<16xi32>
        %parallel_loop3A_119 = arith.constant 16 : i32
        %parallel_loop3A_120 = vector.broadcast %parallel_loop3A_119 : i32 to vector<16xi32>
        %parallel_loop3A_121 = arith.shrui %parallel_loop3A_115, %parallel_loop3A_120 : vector<16xi32>
        %parallel_loop3A_122 = arith.constant 7 : i32
        %parallel_loop3A_123 = vector.broadcast %parallel_loop3A_122 : i32 to vector<16xi32>
        %parallel_loop3A_124 = arith.shrsi %parallel_loop3A_118, %parallel_loop3A_123 : vector<16xi32>
        %parallel_loop3A_125 = arith.constant 127 : i32
        %parallel_loop3A_126 = vector.broadcast %parallel_loop3A_125 : i32 to vector<16xi32>
        %parallel_loop3A_127 = arith.andi %parallel_loop3A_118, %parallel_loop3A_126 : vector<16xi32>
        tpu.vector_store_idx %arg6[%parallel_loop3A_124, %parallel_loop3A_127], %broadcast_in_dim3A_0 {add = true} : memref<256x128xf32, #tpu.memory_space<vmem>>[vector<16xi32>, vector<16xi32>], vector<16xf32>,
        %parallel_loop3A_128 = arith.constant 7 : i32
        %parallel_loop3A_129 = vector.broadcast %parallel_loop3A_128 : i32 to vector<16xi32>
        %parallel_loop3A_130 = arith.shrsi %parallel_loop3A_121, %parallel_loop3A_129 : vector<16xi32>
        %parallel_loop3A_131 = arith.constant 127 : i32
        %parallel_loop3A_132 = vector.broadcast %parallel_loop3A_131 : i32 to vector<16xi32>
        %parallel_loop3A_133 = arith.andi %parallel_loop3A_121, %parallel_loop3A_132 : vector<16xi32>
        tpu.vector_store_idx %arg6[%parallel_loop3A_130, %parallel_loop3A_133], %broadcast_in_dim3A_0 {add = true} : memref<256x128xf32, #tpu.memory_space<vmem>>[vector<16xi32>, vector<16xi32>], vector<16xf32>,
      } {sc.loop_unroll_factor = 8 : i64, sc.parallel_access}
      %add3A_86 = arith.constant 1 : i32
      %add3A_87 = arith.addi %mul3A_65, %add3A_86 : i32
      %mul3A_88 = arith.constant 8 : i32
      %mul3A_89 = arith.muli %add3A_87, %mul3A_88 : i32
      %dma_wait3A_90 = arith.constant 0 : i32
      %dma_wait3A_91 = tpu.memref_slice %arg2[%arg1, %mul3A_89, %dma_wait3A_90] : memref<16x256x512xi32, #tpu.memory_space<hbm>> -> memref<1x8x512xi32, #tpu.memory_space<hbm>>
      %dma_wait3A_92 = tpu.memref_squeeze %dma_wait3A_91 : memref<1x8x512xi32, #tpu.memory_space<hbm>> -> memref<8x512xi32, #tpu.memory_space<hbm>>
      %dma_wait3A_93 = arith.constant 0 : i32
      %dma_wait3A_94 = tpu.memref_slice %arg2[%arg1, %mul3A_89, %dma_wait3A_93] : memref<16x256x512xi32, #tpu.memory_space<hbm>> -> memref<1x8x512xi32, #tpu.memory_space<hbm>>
      %dma_wait3A_95 = tpu.memref_squeeze %dma_wait3A_94 : memref<1x8x512xi32, #tpu.memory_space<hbm>> -> memref<8x512xi32, #tpu.memory_space<hbm>>
      tpu.wait_dma2 semaphore(%arg12 : memref<!tpu.dma_semaphore, #tpu.memory_space<semaphore_mem>>) src(%dma_wait3A_95 : memref<8x512xi32, #tpu.memory_space<hbm>>) dst(%arg5 : memref<8x512xi32, #tpu.memory_space<vmem>>)
      %add3A_96 = arith.constant 2 : i32
      %add3A_97 = arith.addi %mul3A_65, %add3A_96 : i32
      %lt3A = arith.constant 32 : i32
      %lt3A_98 = arith.cmpi slt, %add3A_97, %lt3A : i32
      %convert_element_type3A_99 = arith.extui %lt3A_98 : i1 to i32
      %cond3A_100 = arith.constant 0 : i32
      %cond3A_101 = arith.cmpi ne, %convert_element_type3A_99, %cond3A_100 : i32
      scf.if %cond3A_101 {
        %add3A_106 = arith.constant 2 : i32
        %add3A_107 = arith.addi %mul3A_65, %add3A_106 : i32
        %mul3A_108 = arith.constant 8 : i32
        %mul3A_109 = arith.muli %add3A_107, %mul3A_108 : i32
        %dma_start3A_110 = arith.constant 0 : i32
        %dma_start3A_111 = tpu.memref_slice %arg2[%arg1, %mul3A_109, %dma_start3A_110] : memref<16x256x512xi32, #tpu.memory_space<hbm>> -> memref<1x8x512xi32, #tpu.memory_space<hbm>>
        %dma_start3A_112 = tpu.memref_squeeze %dma_start3A_111 : memref<1x8x512xi32, #tpu.memory_space<hbm>> -> memref<8x512xi32, #tpu.memory_space<hbm>>
        %dma_start3A_113 = arith.constant 0 : i32
        %dma_start3A_114 = tpu.memref_slice %arg2[%arg1, %mul3A_109, %dma_start3A_113] : memref<16x256x512xi32, #tpu.memory_space<hbm>> -> memref<1x8x512xi32, #tpu.memory_space<hbm>>
        %dma_start3A_115 = tpu.memref_squeeze %dma_start3A_114 : memref<1x8x512xi32, #tpu.memory_space<hbm>> -> memref<8x512xi32, #tpu.memory_space<hbm>>
        tpu.enqueue_dma source(%dma_start3A_115 : memref<8x512xi32, #tpu.memory_space<hbm>>) target(%arg4 : memref<8x512xi32, #tpu.memory_space<vmem>>) target_semaphore(%arg11 : memref<!tpu.dma_semaphore, #tpu.memory_space<semaphore_mem>>)
      } else {
      }
      %parallel_loop3A_102 = arith.constant 0 : i32
      %parallel_loop3A_103 = arith.constant 256 : i32
      %parallel_loop3A_104 = arith.constant 1 : i32
      scf.for %parallel_loop3A_106 = %parallel_loop3A_102 to %parallel_loop3A_103 step %parallel_loop3A_104  : i32 {
        %parallel_loop3A_107 = arith.constant 5 : i32
        %parallel_loop3A_108 = arith.shrsi %parallel_loop3A_106, %parallel_loop3A_107 : i32
        %parallel_loop3A_109 = arith.constant 31 : i32
        %parallel_loop3A_110 = arith.andi %parallel_loop3A_106, %parallel_loop3A_109 : i32
        %parallel_loop3A_111 = arith.constant 16 : i32
        %parallel_loop3A_112 = arith.muli %parallel_loop3A_110, %parallel_loop3A_111 : i32
        %parallel_loop3A_113 = arith.index_cast %parallel_loop3A_108 : i32 to index
        %parallel_loop3A_114 = arith.index_cast %parallel_loop3A_112 : i32 to index
        %parallel_loop3A_115 = tpu.vector_load %arg5[%parallel_loop3A_113, %parallel_loop3A_114] {strides = array<i32>} : memref<8x512xi32, #tpu.memory_space<vmem>>, vector<16xi32>,
        %parallel_loop3A_116 = arith.constant 65535 : i32
        %parallel_loop3A_117 = vector.broadcast %parallel_loop3A_116 : i32 to vector<16xi32>
        %parallel_loop3A_118 = arith.andi %parallel_loop3A_115, %parallel_loop3A_117 : vector<16xi32>
        %parallel_loop3A_119 = arith.constant 16 : i32
        %parallel_loop3A_120 = vector.broadcast %parallel_loop3A_119 : i32 to vector<16xi32>
        %parallel_loop3A_121 = arith.shrui %parallel_loop3A_115, %parallel_loop3A_120 : vector<16xi32>
        %parallel_loop3A_122 = arith.constant 7 : i32
        %parallel_loop3A_123 = vector.broadcast %parallel_loop3A_122 : i32 to vector<16xi32>
        %parallel_loop3A_124 = arith.shrsi %parallel_loop3A_118, %parallel_loop3A_123 : vector<16xi32>
        %parallel_loop3A_125 = arith.constant 127 : i32
        %parallel_loop3A_126 = vector.broadcast %parallel_loop3A_125 : i32 to vector<16xi32>
        %parallel_loop3A_127 = arith.andi %parallel_loop3A_118, %parallel_loop3A_126 : vector<16xi32>
        tpu.vector_store_idx %arg6[%parallel_loop3A_124, %parallel_loop3A_127], %broadcast_in_dim3A_0 {add = true} : memref<256x128xf32, #tpu.memory_space<vmem>>[vector<16xi32>, vector<16xi32>], vector<16xf32>,
        %parallel_loop3A_128 = arith.constant 7 : i32
        %parallel_loop3A_129 = vector.broadcast %parallel_loop3A_128 : i32 to vector<16xi32>
        %parallel_loop3A_130 = arith.shrsi %parallel_loop3A_121, %parallel_loop3A_129 : vector<16xi32>
        %parallel_loop3A_131 = arith.constant 127 : i32
        %parallel_loop3A_132 = vector.broadcast %parallel_loop3A_131 : i32 to vector<16xi32>
        %parallel_loop3A_133 = arith.andi %parallel_loop3A_121, %parallel_loop3A_132 : vector<16xi32>
        tpu.vector_store_idx %arg6[%parallel_loop3A_130, %parallel_loop3A_133], %broadcast_in_dim3A_0 {add = true} : memref<256x128xf32, #tpu.memory_space<vmem>>[vector<16xi32>, vector<16xi32>], vector<16xf32>,
      } {sc.loop_unroll_factor = 8 : i64, sc.parallel_access}
      %scan3A_105 = arith.constant 0 : i32
      scf.yield %scan3A_105 : i32
    }
    %scan3A_26 = arith.constant 16 : i32
    %barrier3A = arith.constant 0 : index
    tpu.barrier barrier_id(%barrier3A)
    %run_scoped3A = arith.constant 0 : i32
    "tpu.region"() ({
      %run_scoped3A_62 = tpu.sem_alloc : memref<!tpu.dma_semaphore, #tpu.memory_space<semaphore_mem>>
      %dma_start3A_63 = arith.constant 0 : i32
      %dma_start3A_64 = arith.constant 0 : i32
      %dma_start3A_65 = tpu.memref_slice %arg6[%dma_start3A_63, %dma_start3A_64] : memref<256x128xf32, #tpu.memory_space<vmem>> -> memref<128x128xf32, #tpu.memory_space<vmem>>
      %dma_start3A_66 = arith.constant 0 : i32
      %dma_start3A_67 = tpu.memref_slice %arg8[%run_scoped3A, %dma_start3A_66] : memref<2x128xi32, #tpu.memory_space<vmem>> -> memref<1x128xi32, #tpu.memory_space<vmem>>
      %dma_start3A_68 = tpu.memref_squeeze %dma_start3A_67 : memref<1x128xi32, #tpu.memory_space<vmem>> -> memref<128xi32, #tpu.memory_space<vmem>>
      %dma_start3A_69 = arith.constant 0 : i32
      %dma_start3A_70 = arith.constant 0 : i32
      %dma_start3A_71 = tpu.memref_slice %arg13[%dma_start3A_69, %dma_start3A_70] : memref<256x128xf32, #tpu.memory_space<vmem_shared>> -> memref<256x128xf32, #tpu.memory_space<vmem_shared>>
      tpu.enqueue_indirect_dma source(%dma_start3A_65 : memref<128x128xf32, #tpu.memory_space<vmem>>) target(%dma_start3A_71 : memref<256x128xf32, #tpu.memory_space<vmem_shared>>) offsets(%dma_start3A_68 : memref<128xi32, #tpu.memory_space<vmem>>) semaphore(%run_scoped3A_62 : memref<!tpu.dma_semaphore, #tpu.memory_space<semaphore_mem>>) {add = true}
      %dma_wait3A = arith.constant 0 : i32
      %dma_wait3A_72 = arith.constant 0 : i32
      %dma_wait3A_73 = tpu.memref_slice %arg6[%dma_wait3A, %dma_wait3A_72] : memref<256x128xf32, #tpu.memory_space<vmem>> -> memref<128x128xf32, #tpu.memory_space<vmem>>
      %dma_wait3A_74 = arith.constant 0 : i32
      %dma_wait3A_75 = tpu.memref_slice %arg8[%run_scoped3A, %dma_wait3A_74] : memref<2x128xi32, #tpu.memory_space<vmem>> -> memref<1x128xi32, #tpu.memory_space<vmem>>
      %dma_wait3A_76 = tpu.memref_squeeze %dma_wait3A_75 : memref<1x128xi32, #tpu.memory_space<vmem>> -> memref<128xi32, #tpu.memory_space<vmem>>
      %dma_wait3A_77 = arith.constant 0 : i32
      %dma_wait3A_78 = arith.constant 0 : i32
      %dma_wait3A_79 = tpu.memref_slice %arg13[%dma_wait3A_77, %dma_wait3A_78] : memref<256x128xf32, #tpu.memory_space<vmem_shared>> -> memref<256x128xf32, #tpu.memory_space<vmem_shared>>
      tpu.wait_indirect_dma semaphore(%run_scoped3A_62 : memref<!tpu.dma_semaphore, #tpu.memory_space<semaphore_mem>>) src(%dma_wait3A_73 : memref<128x128xf32, #tpu.memory_space<vmem>>) dst(%dma_wait3A_79 : memref<256x128xf32, #tpu.memory_space<vmem_shared>>)
      tpu.yield
    }) : () -> ()
    %run_scoped3A_27 = arith.constant 1 : i32
    "tpu.region"() ({
      %run_scoped3A_62 = tpu.sem_alloc : memref<!tpu.dma_semaphore, #tpu.memory_space<semaphore_mem>>
      %dma_start3A_63 = arith.constant 128 : i32
      %dma_start3A_64 = arith.constant 0 : i32
      %dma_start3A_65 = tpu.memref_slice %arg6[%dma_start3A_63, %dma_start3A_64] : memref<256x128xf32, #tpu.memory_space<vmem>> -> memref<128x128xf32, #tpu.memory_space<vmem>>
      %dma_start3A_66 = arith.constant 0 : i32
      %dma_start3A_67 = tpu.memref_slice %arg8[%run_scoped3A_27, %dma_start3A_66] : memref<2x128xi32, #tpu.memory_space<vmem>> -> memref<1x128xi32, #tpu.memory_space<vmem>>
      %dma_start3A_68 = tpu.memref_squeeze %dma_start3A_67 : memref<1x128xi32, #tpu.memory_space<vmem>> -> memref<128xi32, #tpu.memory_space<vmem>>
      %dma_start3A_69 = arith.constant 0 : i32
      %dma_start3A_70 = arith.constant 0 : i32
      %dma_start3A_71 = tpu.memref_slice %arg13[%dma_start3A_69, %dma_start3A_70] : memref<256x128xf32, #tpu.memory_space<vmem_shared>> -> memref<256x128xf32, #tpu.memory_space<vmem_shared>>
      tpu.enqueue_indirect_dma source(%dma_start3A_65 : memref<128x128xf32, #tpu.memory_space<vmem>>) target(%dma_start3A_71 : memref<256x128xf32, #tpu.memory_space<vmem_shared>>) offsets(%dma_start3A_68 : memref<128xi32, #tpu.memory_space<vmem>>) semaphore(%run_scoped3A_62 : memref<!tpu.dma_semaphore, #tpu.memory_space<semaphore_mem>>) {add = true}
      %dma_wait3A = arith.constant 128 : i32
      %dma_wait3A_72 = arith.constant 0 : i32
      %dma_wait3A_73 = tpu.memref_slice %arg6[%dma_wait3A, %dma_wait3A_72] : memref<256x128xf32, #tpu.memory_space<vmem>> -> memref<128x128xf32, #tpu.memory_space<vmem>>
      %dma_wait3A_74 = arith.constant 0 : i32
      %dma_wait3A_75 = tpu.memref_slice %arg8[%run_scoped3A_27, %dma_wait3A_74] : memref<2x128xi32, #tpu.memory_space<vmem>> -> memref<1x128xi32, #tpu.memory_space<vmem>>
      %dma_wait3A_76 = tpu.memref_squeeze %dma_wait3A_75 : memref<1x128xi32, #tpu.memory_space<vmem>> -> memref<128xi32, #tpu.memory_space<vmem>>
      %dma_wait3A_77 = arith.constant 0 : i32
      %dma_wait3A_78 = arith.constant 0 : i32
      %dma_wait3A_79 = tpu.memref_slice %arg13[%dma_wait3A_77, %dma_wait3A_78] : memref<256x128xf32, #tpu.memory_space<vmem_shared>> -> memref<256x128xf32, #tpu.memory_space<vmem_shared>>
      tpu.wait_indirect_dma semaphore(%run_scoped3A_62 : memref<!tpu.dma_semaphore, #tpu.memory_space<semaphore_mem>>) src(%dma_wait3A_73 : memref<128x128xf32, #tpu.memory_space<vmem>>) dst(%dma_wait3A_79 : memref<256x128xf32, #tpu.memory_space<vmem_shared>>)
      tpu.yield
    }) : () -> ()
    %barrier3A_28 = arith.constant 0 : index
    tpu.barrier barrier_id(%barrier3A_28)
    %mul3A = arith.constant 16 : i32
    %mul3A_29 = arith.muli %arg1, %mul3A : i32
    "tpu.region"() ({
      %run_scoped3A_62 = tpu.sem_alloc : memref<!tpu.dma_semaphore, #tpu.memory_space<semaphore_mem>>
      %dma_start3A_63 = arith.constant 0 : i32
      %dma_start3A_64 = tpu.memref_slice %arg13[%mul3A_29, %dma_start3A_63] : memref<256x128xf32, #tpu.memory_space<vmem_shared>> -> memref<16x128xf32, #tpu.memory_space<vmem_shared>>
      %dma_start3A_65 = arith.constant 0 : i32
      %dma_start3A_66 = tpu.memref_slice %arg13[%mul3A_29, %dma_start3A_65] : memref<256x128xf32, #tpu.memory_space<vmem_shared>> -> memref<16x128xf32, #tpu.memory_space<vmem_shared>>
      tpu.enqueue_dma source(%dma_start3A_66 : memref<16x128xf32, #tpu.memory_space<vmem_shared>>) target(%arg7 : memref<16x128xf32, #tpu.memory_space<vmem>>) target_semaphore(%run_scoped3A_62 : memref<!tpu.dma_semaphore, #tpu.memory_space<semaphore_mem>>)
      %dma_wait3A = arith.constant 0 : i32
      %dma_wait3A_67 = tpu.memref_slice %arg13[%mul3A_29, %dma_wait3A] : memref<256x128xf32, #tpu.memory_space<vmem_shared>> -> memref<16x128xf32, #tpu.memory_space<vmem_shared>>
      %dma_wait3A_68 = arith.constant 0 : i32
      %dma_wait3A_69 = tpu.memref_slice %arg13[%mul3A_29, %dma_wait3A_68] : memref<256x128xf32, #tpu.memory_space<vmem_shared>> -> memref<16x128xf32, #tpu.memory_space<vmem_shared>>
      tpu.wait_dma2 semaphore(%run_scoped3A_62 : memref<!tpu.dma_semaphore, #tpu.memory_space<semaphore_mem>>) src(%dma_wait3A_69 : memref<16x128xf32, #tpu.memory_space<vmem_shared>>) dst(%arg7 : memref<16x128xf32, #tpu.memory_space<vmem>>)
      tpu.yield
    }) : () -> ()
    %scan3A_30 = arith.constant 0 : i32
    %scan3A_31 = arith.constant 128 : i32
    %scan3A_32 = arith.addi %scan3A_30, %scan3A_31 : i32
    %scan3A_33 = arith.constant 1 : i32
    %scan3A_34:2 = scf.for %scan3A_62 = %scan3A_30 to %scan3A_32 step %scan3A_33 iter_args(%scan3A_63 = %broadcast_in_dim3A_2, %scan3A_64 = %broadcast_in_dim3A_2) -> (vector<16xf32>, vector<16xf32>)  : i32 {
      %shift_right_arithmetic3A = arith.constant 3 : i32
      %shift_right_arithmetic3A_65 = arith.shrsi %scan3A_62, %shift_right_arithmetic3A : i32
      %and3A = arith.constant 7 : i32
      %and3A_66 = arith.andi %scan3A_62, %and3A : i32
      %mul3A_67 = arith.constant 16 : i32
      %mul3A_68 = arith.muli %and3A_66, %mul3A_67 : i32
      %get3A = arith.index_cast %shift_right_arithmetic3A_65 : i32 to index
      %get3A_69 = arith.index_cast %mul3A_68 : i32 to index
      %get3A_70 = tpu.vector_load %arg7[%get3A, %get3A_69] {strides = array<i32>} : memref<16x128xf32, #tpu.memory_space<vmem>>, vector<16xf32>,
      %mul3A_71 = arith.constant 16 : i32
      %mul3A_72 = arith.muli %arg1, %mul3A_71 : i32
      %add3A_73 = arith.addi %mul3A_72, %shift_right_arithmetic3A_65 : i32
      %mul3A_74 = arith.constant 128 : i32
      %mul3A_75 = arith.muli %add3A_73, %mul3A_74 : i32
      %mul3A_76 = arith.constant 16 : i32
      %mul3A_77 = arith.muli %and3A_66, %mul3A_76 : i32
      %add3A_78 = arith.addi %mul3A_75, %mul3A_77 : i32
      %add3A_79 = arith.addf %scan3A_63, %get3A_70 : vector<16xf32>
      %add3A_80 = vector.broadcast %add3A_78 : i32 to vector<16xi32>
      %add3A_81 = arith.addi %add3A_80, %iota3A : vector<16xi32>
      %shift_left3A = arith.constant 16 : i32
      %shift_left3A_82 = vector.broadcast %shift_left3A : i32 to vector<16xi32>
      %shift_left3A_83 = arith.shli %add3A_81, %shift_left3A_82 : vector<16xi32>
      %or3A = arith.constant 32768 : i32
      %or3A_84 = vector.broadcast %or3A : i32 to vector<16xi32>
      %or3A_85 = arith.ori %shift_left3A_83, %or3A_84 : vector<16xi32>
      %bitcast3A = vector.bitcast %or3A_85 : vector<16xi32> to vector<16xf32>
      %mul3A_86 = arith.mulf %get3A_70, %bitcast3A : vector<16xf32>
      %add3A_87 = arith.addf %scan3A_64, %mul3A_86 : vector<16xf32>
      scf.yield %add3A_79, %add3A_87 : vector<16xf32>, vector<16xf32>
    }
    %scan3A_35 = arith.constant 128 : i32
    %reduce_sum3A = arith.constant true
    %reduce_sum3A_36 = vector.broadcast %reduce_sum3A : i1 to vector<16xi1>
    %reduce_sum3A_37 = tpu.scan <sum>, %scan3A_34#0 masked %reduce_sum3A_36 : vector<16xf32>, vector<16xi1> -> vector<16xf32>
    %reduce_sum3A_38 = vector.extract %reduce_sum3A_37[15] : f32 from vector<16xf32>
    %reduce_sum3A_39 = arith.constant true
    %reduce_sum3A_40 = vector.broadcast %reduce_sum3A_39 : i1 to vector<16xi1>
    %reduce_sum3A_41 = tpu.scan <sum>, %scan3A_34#1 masked %reduce_sum3A_40 : vector<16xf32>, vector<16xi1> -> vector<16xf32>
    %reduce_sum3A_42 = vector.extract %reduce_sum3A_41[15] : f32 from vector<16xf32>
    %eq3A_43 = arith.constant 0 : i32
    %eq3A_44 = vector.broadcast %eq3A_43 : i32 to vector<16xi32>
    %eq3A_45 = arith.cmpi eq, %iota3A, %eq3A_44 : vector<16xi32>
    %jit3A = arith.constant 0.000000e+00 : f32
    %broadcast_in_dim3A_46 = vector.broadcast %reduce_sum3A_38 : f32 to vector<16xf32>
    %broadcast_in_dim3A_47 = vector.broadcast %jit3A : f32 to vector<16xf32>
    %select_n3A = arith.select %eq3A_45, %broadcast_in_dim3A_46, %broadcast_in_dim3A_47 : vector<16xi1>, vector<16xf32>
    %eq3A_48 = arith.constant 1 : i32
    %eq3A_49 = vector.broadcast %eq3A_48 : i32 to vector<16xi32>
    %eq3A_50 = arith.cmpi eq, %iota3A, %eq3A_49 : vector<16xi32>
    %jit3A_51 = arith.constant 0.000000e+00 : f32
    %broadcast_in_dim3A_52 = vector.broadcast %reduce_sum3A_42 : f32 to vector<16xf32>
    %broadcast_in_dim3A_53 = vector.broadcast %jit3A_51 : f32 to vector<16xf32>
    %select_n3A_54 = arith.select %eq3A_50, %broadcast_in_dim3A_52, %broadcast_in_dim3A_53 : vector<16xi1>, vector<16xf32>
    %add3A = arith.addf %select_n3A, %select_n3A_54 : vector<16xf32>
    %swap3A = arith.constant 0 : index
    %swap3A_55 = tpu.vector_load %arg9[%swap3A] {strides = array<i32>} : memref<16xf32, #tpu.memory_space<vmem>>, vector<16xf32>,
    tpu.vector_store %arg9[%swap3A], %add3A {strides = array<i32>} : memref<16xf32, #tpu.memory_space<vmem>>, vector<16xf32>,
    "tpu.region"() ({
      %run_scoped3A_62 = tpu.sem_alloc : memref<!tpu.dma_semaphore, #tpu.memory_space<semaphore_mem>>
      %dma_start3A_63 = arith.constant 0 : i32
      %dma_start3A_64 = tpu.memref_slice %arg14[%arg1, %dma_start3A_63] : memref<16x16xf32, #tpu.memory_space<vmem_shared>> -> memref<1x16xf32, #tpu.memory_space<vmem_shared>>
      %dma_start3A_65 = tpu.memref_squeeze %dma_start3A_64 : memref<1x16xf32, #tpu.memory_space<vmem_shared>> -> memref<16xf32, #tpu.memory_space<vmem_shared>>
      %dma_start3A_66 = arith.constant 0 : i32
      %dma_start3A_67 = tpu.memref_slice %arg14[%arg1, %dma_start3A_66] : memref<16x16xf32, #tpu.memory_space<vmem_shared>> -> memref<1x16xf32, #tpu.memory_space<vmem_shared>>
      %dma_start3A_68 = tpu.memref_squeeze %dma_start3A_67 : memref<1x16xf32, #tpu.memory_space<vmem_shared>> -> memref<16xf32, #tpu.memory_space<vmem_shared>>
      tpu.enqueue_dma source(%arg9 : memref<16xf32, #tpu.memory_space<vmem>>) target(%dma_start3A_68 : memref<16xf32, #tpu.memory_space<vmem_shared>>) target_semaphore(%run_scoped3A_62 : memref<!tpu.dma_semaphore, #tpu.memory_space<semaphore_mem>>)
      %dma_wait3A = arith.constant 0 : i32
      %dma_wait3A_69 = tpu.memref_slice %arg14[%arg1, %dma_wait3A] : memref<16x16xf32, #tpu.memory_space<vmem_shared>> -> memref<1x16xf32, #tpu.memory_space<vmem_shared>>
      %dma_wait3A_70 = tpu.memref_squeeze %dma_wait3A_69 : memref<1x16xf32, #tpu.memory_space<vmem_shared>> -> memref<16xf32, #tpu.memory_space<vmem_shared>>
      %dma_wait3A_71 = arith.constant 0 : i32
      %dma_wait3A_72 = tpu.memref_slice %arg14[%arg1, %dma_wait3A_71] : memref<16x16xf32, #tpu.memory_space<vmem_shared>> -> memref<1x16xf32, #tpu.memory_space<vmem_shared>>
      %dma_wait3A_73 = tpu.memref_squeeze %dma_wait3A_72 : memref<1x16xf32, #tpu.memory_space<vmem_shared>> -> memref<16xf32, #tpu.memory_space<vmem_shared>>
      tpu.wait_dma2 semaphore(%run_scoped3A_62 : memref<!tpu.dma_semaphore, #tpu.memory_space<semaphore_mem>>) src(%arg9 : memref<16xf32, #tpu.memory_space<vmem>>) dst(%dma_wait3A_73 : memref<16xf32, #tpu.memory_space<vmem_shared>>)
      tpu.yield
    }) : () -> ()
    %barrier3A_56 = arith.constant 0 : index
    tpu.barrier barrier_id(%barrier3A_56)
    %eq3A_57 = arith.constant 0 : i32
    %eq3A_58 = arith.cmpi eq, %arg1, %eq3A_57 : i32
    %convert_element_type3A_59 = arith.extui %eq3A_58 : i1 to i32
    %cond3A_60 = arith.constant 0 : i32
    %cond3A_61 = arith.cmpi ne, %convert_element_type3A_59, %cond3A_60 : i32
    scf.if %cond3A_61 {
      "tpu.region"() ({
        %run_scoped3A_93 = tpu.sem_alloc : memref<!tpu.dma_semaphore, #tpu.memory_space<semaphore_mem>>
        tpu.enqueue_dma source(%arg14 : memref<16x16xf32, #tpu.memory_space<vmem_shared>>) target(%arg10 : memref<16x16xf32, #tpu.memory_space<vmem>>) target_semaphore(%run_scoped3A_93 : memref<!tpu.dma_semaphore, #tpu.memory_space<semaphore_mem>>)
        tpu.wait_dma2 semaphore(%run_scoped3A_93 : memref<!tpu.dma_semaphore, #tpu.memory_space<semaphore_mem>>) src(%arg14 : memref<16x16xf32, #tpu.memory_space<vmem_shared>>) dst(%arg10 : memref<16x16xf32, #tpu.memory_space<vmem>>)
        tpu.yield
      }) : () -> ()
      %scan3A_62 = arith.constant 0.000000e+00 : f32
      %scan3A_63 = arith.constant 0.000000e+00 : f32
      %scan3A_64 = arith.constant -1 : i32
      %scan3A_65 = arith.constant 0.000000e+00 : f32
      %scan3A_66 = arith.constant 0.000000e+00 : f32
      %scan3A_67 = arith.constant 0 : i32
      %scan3A_68 = arith.constant 16 : i32
      %scan3A_69 = arith.addi %scan3A_67, %scan3A_68 : i32
      %scan3A_70 = arith.constant 1 : i32
      %scan3A_71:5 = scf.for %scan3A_93 = %scan3A_67 to %scan3A_69 step %scan3A_70 iter_args(%scan3A_94 = %scan3A_62, %scan3A_95 = %scan3A_63, %scan3A_96 = %scan3A_64, %scan3A_97 = %scan3A_65, %scan3A_98 = %scan3A_66) -> (f32, f32, i32, f32, f32)  : i32 {
        %sub3A_99 = arith.constant 15 : i32
        %sub3A_100 = arith.subi %sub3A_99, %scan3A_93 : i32
        %get3A = arith.index_cast %sub3A_100 : i32 to index
        %get3A_101 = arith.constant 0 : index
        %get3A_102 = tpu.vector_load %arg10[%get3A, %get3A_101] {strides = array<i32>} : memref<16x16xf32, #tpu.memory_space<vmem>>, vector<16xf32>,
        %slice3A = vector.extract_strided_slice %get3A_102 {offsets = [0], sizes = [1], strides = [1]} : vector<16xf32> to vector<1xf32>
        %squeeze3A = vector.extract %slice3A[0] : f32 from vector<1xf32>
        %slice3A_103 = vector.extract_strided_slice %get3A_102 {offsets = [1], sizes = [1], strides = [1]} : vector<16xf32> to vector<1xf32>
        %squeeze3A_104 = vector.extract %slice3A_103[0] : f32 from vector<1xf32>
        %add3A_105 = arith.addf %scan3A_94, %squeeze3A : f32
        %ge3A = arith.constant 1.600000e+06 : f32
        %ge3A_106 = arith.cmpf oge, %add3A_105, %ge3A : f32
        %lt3A = arith.constant 0 : i32
        %lt3A_107 = arith.cmpi slt, %scan3A_96, %lt3A : i32
        %and3A = arith.andi %ge3A_106, %lt3A_107 : i1
        %select_n3A_108 = arith.select %and3A, %sub3A_100, %scan3A_96 : i32
        %select_n3A_109 = arith.select %and3A, %scan3A_94, %scan3A_97 : f32
        %select_n3A_110 = arith.select %and3A, %scan3A_95, %scan3A_98 : f32
        %add3A_111 = arith.addf %scan3A_94, %squeeze3A : f32
        %add3A_112 = arith.addf %scan3A_95, %squeeze3A_104 : f32
        scf.yield %add3A_111, %add3A_112, %select_n3A_108, %select_n3A_109, %select_n3A_110 : f32, f32, i32, f32, f32
      }
      %scan3A_72 = arith.constant 16 : i32
      %mul3A_73 = arith.constant 16 : i32
      %mul3A_74 = arith.muli %scan3A_71#2, %mul3A_73 : i32
      "tpu.region"() ({
        %run_scoped3A_93 = tpu.sem_alloc : memref<!tpu.dma_semaphore, #tpu.memory_space<semaphore_mem>>
        %dma_start3A_94 = arith.constant 0 : i32
        %dma_start3A_95 = tpu.memref_slice %arg13[%mul3A_74, %dma_start3A_94] : memref<256x128xf32, #tpu.memory_space<vmem_shared>> -> memref<16x128xf32, #tpu.memory_space<vmem_shared>>
        %dma_start3A_96 = arith.constant 0 : i32
        %dma_start3A_97 = tpu.memref_slice %arg13[%mul3A_74, %dma_start3A_96] : memref<256x128xf32, #tpu.memory_space<vmem_shared>> -> memref<16x128xf32, #tpu.memory_space<vmem_shared>>
        tpu.enqueue_dma source(%dma_start3A_97 : memref<16x128xf32, #tpu.memory_space<vmem_shared>>) target(%arg7 : memref<16x128xf32, #tpu.memory_space<vmem>>) target_semaphore(%run_scoped3A_93 : memref<!tpu.dma_semaphore, #tpu.memory_space<semaphore_mem>>)
        %dma_wait3A = arith.constant 0 : i32
        %dma_wait3A_98 = tpu.memref_slice %arg13[%mul3A_74, %dma_wait3A] : memref<256x128xf32, #tpu.memory_space<vmem_shared>> -> memref<16x128xf32, #tpu.memory_space<vmem_shared>>
        %dma_wait3A_99 = arith.constant 0 : i32
        %dma_wait3A_100 = tpu.memref_slice %arg13[%mul3A_74, %dma_wait3A_99] : memref<256x128xf32, #tpu.memory_space<vmem_shared>> -> memref<16x128xf32, #tpu.memory_space<vmem_shared>>
        tpu.wait_dma2 semaphore(%run_scoped3A_93 : memref<!tpu.dma_semaphore, #tpu.memory_space<semaphore_mem>>) src(%dma_wait3A_100 : memref<16x128xf32, #tpu.memory_space<vmem_shared>>) dst(%arg7 : memref<16x128xf32, #tpu.memory_space<vmem>>)
        tpu.yield
      }) : () -> ()
      %scan3A_75 = arith.constant false
      %scan3A_76 = arith.constant 0.000000e+00 : f32
      %scan3A_77 = arith.constant 0.000000e+00 : f32
      %scan3A_78 = arith.constant 0.000000e+00 : f32
      %scan3A_79 = arith.constant 0 : i32
      %scan3A_80 = arith.constant 128 : i32
      %scan3A_81 = arith.addi %scan3A_79, %scan3A_80 : i32
      %scan3A_82 = arith.constant 1 : i32
      %scan3A_83:6 = scf.for %scan3A_93 = %scan3A_79 to %scan3A_81 step %scan3A_82 iter_args(%scan3A_94 = %scan3A_71#3, %scan3A_95 = %scan3A_71#4, %scan3A_96 = %scan3A_75, %scan3A_97 = %scan3A_76, %scan3A_98 = %scan3A_77, %scan3A_99 = %scan3A_78) -> (f32, f32, i1, f32, f32, f32)  : i32 {
        %shift_right_arithmetic3A = arith.constant 3 : i32
        %shift_right_arithmetic3A_100 = arith.shrsi %scan3A_93, %shift_right_arithmetic3A : i32
        %sub3A_101 = arith.constant 15 : i32
        %sub3A_102 = arith.subi %sub3A_101, %shift_right_arithmetic3A_100 : i32
        %and3A = arith.constant 7 : i32
        %and3A_103 = arith.andi %scan3A_93, %and3A : i32
        %sub3A_104 = arith.constant 7 : i32
        %sub3A_105 = arith.subi %sub3A_104, %and3A_103 : i32
        %mul3A_106 = arith.constant 16 : i32
        %mul3A_107 = arith.muli %sub3A_105, %mul3A_106 : i32
        %get3A = arith.index_cast %sub3A_102 : i32 to index
        %get3A_108 = arith.index_cast %mul3A_107 : i32 to index
        %get3A_109 = tpu.vector_load %arg7[%get3A, %get3A_108] {strides = array<i32>} : memref<16x128xf32, #tpu.memory_space<vmem>>, vector<16xf32>,
        %mul3A_110 = arith.constant 16 : i32
        %mul3A_111 = arith.muli %scan3A_71#2, %mul3A_110 : i32
        %add3A_112 = arith.addi %mul3A_111, %sub3A_102 : i32
        %mul3A_113 = arith.constant 128 : i32
        %mul3A_114 = arith.muli %add3A_112, %mul3A_113 : i32
        %mul3A_115 = arith.constant 16 : i32
        %mul3A_116 = arith.muli %sub3A_105, %mul3A_115 : i32
        %add3A_117 = arith.addi %mul3A_114, %mul3A_116 : i32
        %add3A_118 = vector.broadcast %add3A_117 : i32 to vector<16xi32>
        %add3A_119 = arith.addi %add3A_118, %iota3A : vector<16xi32>
        %shift_left3A = arith.constant 16 : i32
        %shift_left3A_120 = vector.broadcast %shift_left3A : i32 to vector<16xi32>
        %shift_left3A_121 = arith.shli %add3A_119, %shift_left3A_120 : vector<16xi32>
        %or3A = arith.constant 32768 : i32
        %or3A_122 = vector.broadcast %or3A : i32 to vector<16xi32>
        %or3A_123 = arith.ori %shift_left3A_121, %or3A_122 : vector<16xi32>
        %bitcast3A = vector.bitcast %or3A_123 : vector<16xi32> to vector<16xf32>
        %mul3A_124 = arith.mulf %get3A_109, %bitcast3A : vector<16xf32>
        %rev3A = arith.constant 15 : i32
        %rev3A_125 = vector.broadcast %rev3A : i32 to vector<16xi32>
        %rev3A_126 = tpu.iota {dimensions = array<i32: 0>} : vector<16xi32>
        %rev3A_127 = arith.subi %rev3A_125, %rev3A_126 : vector<16xi32>
        %rev3A_128 = tpu.dynamic_gather %get3A_109[%rev3A_127] in [0] : vector<16xf32>, vector<16xi32> -> vector<16xf32>
        %rev3A_129 = arith.constant 15 : i32
        %rev3A_130 = vector.broadcast %rev3A_129 : i32 to vector<16xi32>
        %rev3A_131 = tpu.iota {dimensions = array<i32: 0>} : vector<16xi32>
        %rev3A_132 = arith.subi %rev3A_130, %rev3A_131 : vector<16xi32>
        %rev3A_133 = tpu.dynamic_gather %mul3A_124[%rev3A_132] in [0] : vector<16xf32>, vector<16xi32> -> vector<16xf32>
        %rev3A_134 = arith.constant 15 : i32
        %rev3A_135 = vector.broadcast %rev3A_134 : i32 to vector<16xi32>
        %rev3A_136 = tpu.iota {dimensions = array<i32: 0>} : vector<16xi32>
        %rev3A_137 = arith.subi %rev3A_135, %rev3A_136 : vector<16xi32>
        %rev3A_138 = tpu.dynamic_gather %bitcast3A[%rev3A_137] in [0] : vector<16xf32>, vector<16xi32> -> vector<16xf32>
        %broadcast_in_dim3A_139 = arith.constant true
        %broadcast_in_dim3A_140 = vector.broadcast %broadcast_in_dim3A_139 : i1 to vector<16xi1>
        %masked_cumsum3A = tpu.scan <sum>, %rev3A_128 masked %broadcast_in_dim3A_140 : vector<16xf32>, vector<16xi1> -> vector<16xf32>
        %broadcast_in_dim3A_141 = arith.constant true
        %broadcast_in_dim3A_142 = vector.broadcast %broadcast_in_dim3A_141 : i1 to vector<16xi1>
        %masked_cumsum3A_143 = tpu.scan <sum>, %rev3A_133 masked %broadcast_in_dim3A_142 : vector<16xf32>, vector<16xi1> -> vector<16xf32>
        %add3A_144 = vector.broadcast %scan3A_94 : f32 to vector<16xf32>
        %add3A_145 = arith.addf %add3A_144, %masked_cumsum3A : vector<16xf32>
        %ge3A = arith.constant 1.600000e+06 : f32
        %ge3A_146 = vector.broadcast %ge3A : f32 to vector<16xf32>
        %ge3A_147 = arith.cmpf oge, %add3A_145, %ge3A_146 : vector<16xf32>
        %all_reduce_population_count3A = tpu.all_reduce %ge3A_147 {dim = 0 : i64, kind = #tpu.reduction_kind<sum>} : vector<16xi1> -> vector<16xi32>
        %slice3A = vector.extract_strided_slice %all_reduce_population_count3A {offsets = [0], sizes = [1], strides = [1]} : vector<16xi32> to vector<1xi32>
        %squeeze3A = vector.extract %slice3A[0] : i32 from vector<1xi32>
        %sub3A_148 = arith.constant 16 : i32
        %sub3A_149 = arith.subi %sub3A_148, %squeeze3A : i32
        %iota3A_150 = tpu.iota {dimensions = array<i32: 0>} : vector<16xi32>
        %eq3A_151 = vector.broadcast %sub3A_149 : i32 to vector<16xi32>
        %eq3A_152 = arith.cmpi eq, %iota3A_150, %eq3A_151 : vector<16xi32>
        %jit3A_153 = arith.constant 0.000000e+00 : f32
        %broadcast_in_dim3A_154 = vector.broadcast %jit3A_153 : f32 to vector<16xf32>
        %select_n3A_155 = arith.select %eq3A_152, %masked_cumsum3A, %broadcast_in_dim3A_154 : vector<16xi1>, vector<16xf32>
        %reduce_sum3A_156 = arith.constant true
        %reduce_sum3A_157 = vector.broadcast %reduce_sum3A_156 : i1 to vector<16xi1>
        %reduce_sum3A_158 = tpu.scan <sum>, %select_n3A_155 masked %reduce_sum3A_157 : vector<16xf32>, vector<16xi1> -> vector<16xf32>
        %reduce_sum3A_159 = vector.extract %reduce_sum3A_158[15] : f32 from vector<16xf32>
        %iota3A_160 = tpu.iota {dimensions = array<i32: 0>} : vector<16xi32>
        %eq3A_161 = vector.broadcast %sub3A_149 : i32 to vector<16xi32>
        %eq3A_162 = arith.cmpi eq, %iota3A_160, %eq3A_161 : vector<16xi32>
        %jit3A_163 = arith.constant 0.000000e+00 : f32
        %broadcast_in_dim3A_164 = vector.broadcast %jit3A_163 : f32 to vector<16xf32>
        %select_n3A_165 = arith.select %eq3A_162, %masked_cumsum3A_143, %broadcast_in_dim3A_164 : vector<16xi1>, vector<16xf32>
        %reduce_sum3A_166 = arith.constant true
        %reduce_sum3A_167 = vector.broadcast %reduce_sum3A_166 : i1 to vector<16xi1>
        %reduce_sum3A_168 = tpu.scan <sum>, %select_n3A_165 masked %reduce_sum3A_167 : vector<16xf32>, vector<16xi1> -> vector<16xf32>
        %reduce_sum3A_169 = vector.extract %reduce_sum3A_168[15] : f32 from vector<16xf32>
        %iota3A_170 = tpu.iota {dimensions = array<i32: 0>} : vector<16xi32>
        %eq3A_171 = vector.broadcast %sub3A_149 : i32 to vector<16xi32>
        %eq3A_172 = arith.cmpi eq, %iota3A_170, %eq3A_171 : vector<16xi32>
        %jit3A_173 = arith.constant 0.000000e+00 : f32
        %broadcast_in_dim3A_174 = vector.broadcast %jit3A_173 : f32 to vector<16xf32>
        %select_n3A_175 = arith.select %eq3A_172, %rev3A_128, %broadcast_in_dim3A_174 : vector<16xi1>, vector<16xf32>
        %reduce_sum3A_176 = arith.constant true
        %reduce_sum3A_177 = vector.broadcast %reduce_sum3A_176 : i1 to vector<16xi1>
        %reduce_sum3A_178 = tpu.scan <sum>, %select_n3A_175 masked %reduce_sum3A_177 : vector<16xf32>, vector<16xi1> -> vector<16xf32>
        %reduce_sum3A_179 = vector.extract %reduce_sum3A_178[15] : f32 from vector<16xf32>
        %iota3A_180 = tpu.iota {dimensions = array<i32: 0>} : vector<16xi32>
        %eq3A_181 = vector.broadcast %sub3A_149 : i32 to vector<16xi32>
        %eq3A_182 = arith.cmpi eq, %iota3A_180, %eq3A_181 : vector<16xi32>
        %jit3A_183 = arith.constant 0.000000e+00 : f32
        %broadcast_in_dim3A_184 = vector.broadcast %jit3A_183 : f32 to vector<16xf32>
        %select_n3A_185 = arith.select %eq3A_182, %rev3A_133, %broadcast_in_dim3A_184 : vector<16xi1>, vector<16xf32>
        %reduce_sum3A_186 = arith.constant true
        %reduce_sum3A_187 = vector.broadcast %reduce_sum3A_186 : i1 to vector<16xi1>
        %reduce_sum3A_188 = tpu.scan <sum>, %select_n3A_185 masked %reduce_sum3A_187 : vector<16xf32>, vector<16xi1> -> vector<16xf32>
        %reduce_sum3A_189 = vector.extract %reduce_sum3A_188[15] : f32 from vector<16xf32>
        %iota3A_190 = tpu.iota {dimensions = array<i32: 0>} : vector<16xi32>
        %eq3A_191 = vector.broadcast %sub3A_149 : i32 to vector<16xi32>
        %eq3A_192 = arith.cmpi eq, %iota3A_190, %eq3A_191 : vector<16xi32>
        %jit3A_193 = arith.constant 0.000000e+00 : f32
        %broadcast_in_dim3A_194 = vector.broadcast %jit3A_193 : f32 to vector<16xf32>
        %select_n3A_195 = arith.select %eq3A_192, %rev3A_138, %broadcast_in_dim3A_194 : vector<16xi1>, vector<16xf32>
        %reduce_sum3A_196 = arith.constant true
        %reduce_sum3A_197 = vector.broadcast %reduce_sum3A_196 : i1 to vector<16xi1>
        %reduce_sum3A_198 = tpu.scan <sum>, %select_n3A_195 masked %reduce_sum3A_197 : vector<16xf32>, vector<16xi1> -> vector<16xf32>
        %reduce_sum3A_199 = vector.extract %reduce_sum3A_198[15] : f32 from vector<16xf32>
        %gt3A = arith.constant 0 : i32
        %gt3A_200 = arith.cmpi sgt, %squeeze3A, %gt3A : i32
        %not3A = arith.constant true
        %not3A_201 = arith.xori %scan3A_96, %not3A : i1
        %and3A_202 = arith.andi %gt3A_200, %not3A_201 : i1
        %add3A_203 = arith.addf %scan3A_94, %reduce_sum3A_159 : f32
        %sub3A_204 = arith.subf %add3A_203, %reduce_sum3A_179 : f32
        %select_n3A_205 = arith.select %and3A_202, %sub3A_204, %scan3A_97 : f32
        %add3A_206 = arith.addf %scan3A_95, %reduce_sum3A_169 : f32
        %sub3A_207 = arith.subf %add3A_206, %reduce_sum3A_189 : f32
        %select_n3A_208 = arith.select %and3A_202, %sub3A_207, %scan3A_98 : f32
        %select_n3A_209 = arith.select %and3A_202, %reduce_sum3A_199, %scan3A_99 : f32
        %gt3A_210 = arith.constant 0 : i32
        %gt3A_211 = arith.cmpi sgt, %squeeze3A, %gt3A_210 : i32
        %or3A_212 = arith.ori %scan3A_96, %gt3A_211 : i1
        %slice3A_213 = vector.extract_strided_slice %masked_cumsum3A {offsets = [15], sizes = [1], strides = [1]} : vector<16xf32> to vector<1xf32>
        %squeeze3A_214 = vector.extract %slice3A_213[0] : f32 from vector<1xf32>
        %add3A_215 = arith.addf %scan3A_94, %squeeze3A_214 : f32
        %slice3A_216 = vector.extract_strided_slice %masked_cumsum3A_143 {offsets = [15], sizes = [1], strides = [1]} : vector<16xf32> to vector<1xf32>
        %squeeze3A_217 = vector.extract %slice3A_216[0] : f32 from vector<1xf32>
        %add3A_218 = arith.addf %scan3A_95, %squeeze3A_217 : f32
        scf.yield %add3A_215, %add3A_218, %or3A_212, %select_n3A_205, %select_n3A_208, %select_n3A_209 : f32, f32, i1, f32, f32, f32
      }
      %scan3A_84 = arith.constant 128 : i32
      %sub3A = arith.constant 1.600000e+06 : f32
      %sub3A_85 = arith.subf %sub3A, %scan3A_83#3 : f32
      %mul3A_86 = arith.mulf %sub3A_85, %scan3A_83#5 : f32
      %add3A_87 = arith.addf %scan3A_83#4, %mul3A_86 : f32
      %mul3A_88 = arith.constant 6.250000e-07 : f32
      %mul3A_89 = arith.mulf %add3A_87, %mul3A_88 : f32
      %broadcast_in_dim3A_90 = vector.broadcast %mul3A_89 : f32 to vector<16xf32>
      %swap3A_91 = arith.constant 0 : index
      %swap3A_92 = tpu.vector_load %arg9[%swap3A_91] {strides = array<i32>} : memref<16xf32, #tpu.memory_space<vmem>>, vector<16xf32>,
      tpu.vector_store %arg9[%swap3A_91], %broadcast_in_dim3A_90 {strides = array<i32>} : memref<16xf32, #tpu.memory_space<vmem>>, vector<16xf32>,
      "tpu.region"() ({
        %run_scoped3A_93 = tpu.sem_alloc : memref<!tpu.dma_semaphore, #tpu.memory_space<semaphore_mem>>
        tpu.enqueue_dma source(%arg9 : memref<16xf32, #tpu.memory_space<vmem>>) target(%arg3 : memref<16xf32, #tpu.memory_space<hbm>>) target_semaphore(%run_scoped3A_93 : memref<!tpu.dma_semaphore, #tpu.memory_space<semaphore_mem>>)
        tpu.wait_dma2 semaphore(%run_scoped3A_93 : memref<!tpu.dma_semaphore, #tpu.memory_space<semaphore_mem>>) src(%arg9 : memref<16xf32, #tpu.memory_space<vmem>>) dst(%arg3 : memref<16xf32, #tpu.memory_space<hbm>>)
        tpu.yield
      }) : () -> ()
    } else {
    }
    return
  }
}

module attributes {stable_mosaic.version = 14 : i64} {
  func.func @_tc_keys_body(%arg0: i32, %arg1: memref<4x512x512xf32, #tpu.memory_space<vmem>>, %arg2: memref<4x512x512xf32, #tpu.memory_space<vmem>>, %arg3: memref<4x256x512xi32, #tpu.memory_space<vmem>>) attributes {dimension_semantics = [#tpu.dimension_semantics<arbitrary>], iteration_bounds = array<i64: 4>, scalar_prefetch = 0 : i64, scratch_operands = 0 : i64, tpu.core_type = #tpu.core_type<tc>, window_params = [{transform_indices = @transform_0, window_bounds = array<i64: 4, 512, 512>}, {transform_indices = @transform_1, window_bounds = array<i64: 4, 512, 512>}, {transform_indices = @transform_2, window_bounds = array<i64: 4, 256, 512>}]} {
    %get3A = arith.constant 0 : index
    %get3A_0 = arith.constant 0 : index
    %get3A_1 = arith.constant 0 : index
    %get3A_2 = vector.load %arg1[%get3A, %get3A_0, %get3A_1] : memref<4x512x512xf32, #tpu.memory_space<vmem>>, vector<4x512x512xf32>
    %get3A_3 = arith.constant 0 : index
    %get3A_4 = arith.constant 0 : index
    %get3A_5 = arith.constant 0 : index
    %get3A_6 = vector.load %arg2[%get3A_3, %get3A_4, %get3A_5] : memref<4x512x512xf32, #tpu.memory_space<vmem>>, vector<4x512x512xf32>
    %max3A = arith.constant 0.000000e+00 : f32
    %max3A_7 = vector.broadcast %max3A : f32 to vector<4x512x512xf32>
    %max3A_8 = arith.maximumf %get3A_2, %max3A_7 : vector<4x512x512xf32>
    %mul3A = arith.mulf %get3A_2, %get3A_6 : vector<4x512x512xf32>
    %sub3A = arith.subf %max3A_8, %mul3A : vector<4x512x512xf32>
    %abs3A = math.absf %get3A_2 : vector<4x512x512xf32>
    %neg3A = arith.constant 0.000000e+00 : f32
    %neg3A_9 = vector.broadcast %neg3A : f32 to vector<4x512x512xf32>
    %neg3A_10 = arith.subf %neg3A_9, %abs3A : vector<4x512x512xf32>
    %exp3A = math.exp %neg3A_10 : vector<4x512x512xf32>
    %log1p3A = math.log1p %exp3A : vector<4x512x512xf32>
    %add3A = arith.addf %sub3A, %log1p3A : vector<4x512x512xf32>
    %bitcast_convert_type3A = tpu.bitcast %add3A : vector<4x512x512xf32> -> vector<4x512x512xi32>
    %shift_right_arithmetic3A = arith.constant 16 : i32
    %shift_right_arithmetic3A_11 = vector.broadcast %shift_right_arithmetic3A : i32 to vector<4x512x512xi32>
    %shift_right_arithmetic3A_12 = arith.shrsi %bitcast_convert_type3A, %shift_right_arithmetic3A_11 : vector<4x512x512xi32>
    %slice3A = vector.extract_strided_slice %shift_right_arithmetic3A_12 {offsets = [0, 0, 0], sizes = [4, 256, 512], strides = [1, 1, 1]} : vector<4x512x512xi32> to vector<4x256x512xi32>
    %slice3A_13 = vector.extract_strided_slice %shift_right_arithmetic3A_12 {offsets = [0, 256, 0], sizes = [4, 256, 512], strides = [1, 1, 1]} : vector<4x512x512xi32> to vector<4x256x512xi32>
    %shift_left3A = arith.constant 16 : i32
    %shift_left3A_14 = vector.broadcast %shift_left3A : i32 to vector<4x256x512xi32>
    %shift_left3A_15 = arith.shli %slice3A_13, %shift_left3A_14 : vector<4x256x512xi32>
    %or3A = arith.ori %slice3A, %shift_left3A_15 : vector<4x256x512xi32>
    %swap3A = arith.constant 0 : index
    %swap3A_16 = arith.constant 0 : index
    %swap3A_17 = arith.constant 0 : index
    %swap3A_18 = vector.load %arg3[%swap3A, %swap3A_16, %swap3A_17] : memref<4x256x512xi32, #tpu.memory_space<vmem>>, vector<4x256x512xi32>
    tpu.vector_store %arg3[%swap3A, %swap3A_16, %swap3A_17], %or3A {strides = array<i32>} : memref<4x256x512xi32, #tpu.memory_space<vmem>>, vector<4x256x512xi32>,
    return
  }
  func.func @transform_0(%arg0: i32) -> (i32, i32, i32) {
    %c0_i32 = arith.constant 0 : i32
    %c0_i32_0 = arith.constant 0 : i32
    %c0_i32_1 = arith.constant 0 : i32
    return %arg0, %c0_i32, %c0_i32_0 : i32, i32, i32
  }
  func.func @transform_1(%arg0: i32) -> (i32, i32, i32) {
    %c0_i32 = arith.constant 0 : i32
    %c0_i32_0 = arith.constant 0 : i32
    %c0_i32_1 = arith.constant 0 : i32
    return %arg0, %c0_i32, %c0_i32_0 : i32, i32, i32
  }
  func.func @transform_2(%arg0: i32) -> (i32, i32, i32) {
    %c0_i32 = arith.constant 0 : i32
    %c0_i32_0 = arith.constant 0 : i32
    %c0_i32_1 = arith.constant 0 : i32
    return %arg0, %c0_i32, %c0_i32_0 : i32, i32, i32
  }
}

</mosaic_0001>

<sc_bundles>
// kernel: kernel.4.cloned.1.call-start
scs
__scs_entry_jumppad:
0x0: {  	(pc) =	sbr.rel $0x88, $3  }
0x1: {  	(tag) =	ssettag $0x0;
	lr =	simm.s32 $0x1  }
0x2: {  	[smem:$0x3F9F] =	sst lr;
	_ =	strace $0xD0000000  }
0x3: {  	_ = 	snop  }
0x4: {  	_ = 	snop  }
0x5: {  	_ = 	snop  }
0x6: {  	_ = 	snop  }
0x7: {  	_ = 	snop  }
__scs_overlays_trampoline_lowered:
0x8: {  	[smem:$0x3FAE] =	sst s0  }
0x9: {  	[smem:$0x3FAF] =	sst s1  }
0xa: {  	[smem:$0x3FB0] =	sst s2  }
0xb: {  	[smem:$0x3FB1] =	sst s3  }
0xc: {  	[smem:$0x3FB2] =	sst s4  }
0xd: {  	[smem:$0x3FB3] =	sst s5  }
0xe: {  	[smem:$0x3FB4] =	sst s6  }
0xf: {  	[smem:$0x3FB5] =	sst s7  }
0x10: {  	[smem:$0x3FB6] =	sst s8  }
0x11: {  	[smem:$0x3FB7] =	sst s9;
	s0 =	simm.s32 @!p0 $0x0  }
0x12: {  	s1 =	sld [smem:$0x3F9D];
	s0 =	simm.s32 @p0 $0x1  }
0x13: {  	[smem:$0x3FB8] =	sst s0;
	s0 =	simm.s32 @!p1 $0x0  }
0x14: {  	s2 =	sld [smem:$0x3F9C];
	s0 =	simm.s32 @p1 $0x1  }
0x15: {  	[smem:$0x3FB9] =	sst s0;
	s0 =	simm.s32 @!p2 $0x0  }
0x16: {  	s3 =	sld [smem:$0x3FDB];
	s0 =	simm.s32 @p2 $0x1  }
0x17: {  	s4 =	simm.s32 $0x1BF5;
	[smem:$0x3FBB] =	sst s0  }
0x18: {  	s0 =	sld [smem:$0x3F9E];
	_ =	swait.ge [sflag:s4], $0x0  }
0x19: {  	s7 =	sld [smem:$0x3F9F]  }
0x1a: {  	s8 =	sadd.s32 $0xFFFFE003, lr  }
0x1b: {  	s9 =	sadd.s32 $0xFFFFFEF7, lr;
	s5 =	simm.s32 $0xFFFFFFFF;
	p2 =	slt.u32 s8, $0xFFFFF086  }
0x1c: {  	p1 =	slt.u32 s9, $0xF7A;
	s5 =	simm.s32 @!p2 $0x0  }
0x1d: {  	s5 =	simm.s32 @p1 $0x1;
	p0 =	seq.s32 s7, s2  }
0x1e: {  	s7 =	smul.u32 @!p0 $0xF7A, s2;
	p2 =	seq.s32 @!p0 s5, $0x0  }
0x1f: {  	s9 =	smul.u32 $0xF7A, s1;
	s8 =	simm.s32 @!p0 $0x1BF5;
	p2 =	por !p2, p0  }
0x20: {  	[sflag:s8] =	ssyncset.s32 @!p0 $0xFFFFF086;
	s6 =	sadd.s32 @!p0 s3, s7;
	s7 =	simm.s32 @!p0 $0x108  }
0x21: {  	s3 =	sadd.s32 s3, s9;
	s6 =	sadd.s32 @!p0 $0x88, s6;
	s7 =	simm.s32 @p2 $0x1082  }
0x22: {  	[simem:s7], [sflag:s8] =	dma.local @!p0 [hbm:s6], $0xF7A  }
0x23: {  	s9 =	sor.u32 $0xD0000000, s2;
	s6 =	simm.s32 $0x108;
	_ =	swait.ge @!p0 [sflag:s8], $0x0  }
0x24: {  	s3 =	sadd.s32 $0x88, s3;
	s6 =	simm.s32 @!p1 $0x1082;
	[sflag:s4] =	ssyncset.s32 $0xFFFFF086  }
0x25: {  	[simem:s6], [sflag:s4] =	dma.local [hbm:s3], $0xF7A  }
0x26: {  	[smem:$0x3F9F] =	sst s1;
	(tag) =	ssettag s2;
	_ =	strace s9  }
0x27: {  	s1 =	sld [smem:$0x3FAF]  }
0x28: {  	s2 =	sld [smem:$0x3FB0]  }
0x29: {  	s4 =	sld [smem:$0x3FB2]  }
0x2a: {  	p0 =	seq.s32 s5, $0x0;
	s5 =	sld [smem:$0x3FB3]  }
0x2b: {  	s6 =	sld [smem:$0x3FB4]  }
0x2c: {  	s7 =	sld [smem:$0x3FB5]  }
0x2d: {  	s3 =	simm.s32 $0x108;
	s8 =	sld [smem:$0x3FB6]  }
0x2e: {  	s3 =	simm.s32 @!p0 $0x1082;
	s9 =	sld [smem:$0x3FB7]  }
0x2f: {  	lr =	sadd.s32 s0, s3;
	s0 =	sld [smem:$0x3FAE]  }
0x30: {  	s3 =	sld [smem:$0x3FB1]  }
0x31: {  	[smem:$0x3FBA] =	sst s10  }
0x32: {  	s10 =	sld [smem:$0x3FB8];
	_ =	sdelay $0x3  }
0x33: {  	p0 =	seq.s32 s10, $0x1;
	s10 =	sld [smem:$0x3FBA];
	_ =	sdelay $0x3  }
0x34: {  	[smem:$0x3FBA] =	sst s10  }
0x35: {  	s10 =	sld [smem:$0x3FB9];
	_ =	sdelay $0x3  }
0x36: {  	p1 =	seq.s32 s10, $0x1;
	s10 =	sld [smem:$0x3FBA];
	_ =	sdelay $0x3  }
0x37: {  	[smem:$0x3FBA] =	sst s10  }
0x38: {  	s10 =	sld [smem:$0x3FBB]  }
0x39: {  	_ = 	snop;
	(pc) =	sbr.ind lr, $3  }
0x3a: {  	_ = 	snop  }
0x3b: {  	_ = 	snop  }
0x3c: {  	p2 =	seq.s32 s10, $0x1;
	s10 =	sld [smem:$0x3FBA]  }
0x3d: {  	_ =	shalt  }
0x3e: {  	_ =	shalt  }
0x3f: {  	_ =	shalt  }
0x40: {  	_ =	shalt  }
0x41: {  	_ =	shalt  }
0x42: {  	_ =	shalt  }
0x43: {  	_ =	shalt  }
0x44: {  	_ =	shalt  }
0x45: {  	_ =	shalt  }
0x46: {  	_ =	shalt  }
0x47: {  	_ =	shalt  }
0x48: {  	_ =	shalt  }
0x49: {  	_ =	shalt  }
0x4a: {  	_ =	shalt  }
0x4b: {  	_ =	shalt  }
0x4c: {  	_ =	shalt  }
0x4d: {  	_ =	shalt  }
0x4e: {  	_ =	shalt  }
0x4f: {  	_ =	shalt  }
0x50: {  	_ =	shalt  }
0x51: {  	_ =	shalt  }
0x52: {  	_ =	shalt  }
0x53: {  	_ =	shalt  }
0x54: {  	_ =	shalt  }
0x55: {  	_ =	shalt  }
0x56: {  	_ =	shalt  }
0x57: {  	_ =	shalt  }
0x58: {  	_ =	shalt  }
0x59: {  	_ =	shalt  }
0x5a: {  	_ =	shalt  }
0x5b: {  	_ =	shalt  }
0x5c: {  	_ =	shalt  }
0x5d: {  	_ =	shalt  }
0x5e: {  	_ =	shalt  }
0x5f: {  	_ =	shalt  }
0x60: {  	_ =	shalt  }
0x61: {  	_ =	shalt  }
0x62: {  	_ =	shalt  }
0x63: {  	_ =	shalt  }
0x64: {  	_ =	shalt  }
0x65: {  	_ =	shalt  }
0x66: {  	_ =	shalt  }
0x67: {  	_ =	shalt  }
0x68: {  	_ =	shalt  }
0x69: {  	_ =	shalt  }
0x6a: {  	_ =	shalt  }
0x6b: {  	_ =	shalt  }
0x6c: {  	_ =	shalt  }
0x6d: {  	_ =	shalt  }
0x6e: {  	_ =	shalt  }
0x6f: {  	_ =	shalt  }
0x70: {  	_ =	shalt  }
0x71: {  	_ =	shalt  }
0x72: {  	_ =	shalt  }
0x73: {  	_ =	shalt  }
0x74: {  	_ =	shalt  }
0x75: {  	_ =	shalt  }
0x76: {  	_ =	shalt  }
0x77: {  	_ =	shalt  }
0x78: {  	_ =	shalt  }
0x79: {  	_ =	shalt  }
0x7a: {  	_ =	shalt  }
0x7b: {  	_ =	shalt  }
0x7c: {  	_ =	shalt  }
0x7d: {  	_ =	shalt  }
0x7e: {  	_ =	shalt  }
0x7f: {  	_ =	shalt  }
0x80: {  	_ =	shalt  }
0x81: {  	_ =	shalt  }
0x82: {  	_ =	shalt  }
0x83: {  	_ =	shalt  }
0x84: {  	_ =	shalt  }
0x85: {  	_ =	shalt  }
0x86: {  	_ =	shalt  }
0x87: {  	_ =	shalt  }
.Lfunc_end0:
.L_simem_size_0:
called_computation_lowered:
.L_overlay_start_0:
0x88: {  	s0 =	sld [smem:$0x3FD9]  }
0x89: {  	s1 =	sld [smem:$0x3FFE];
	_ =	sdelay $0x3  }
0x8a: {  	s0 =	sadd.s32 s1, s0  }
0x8b: {  	[smem:$0x3FC6] =	sst s0  }
0x8c: {  	_ = 	snop  }
0x8d: {  	s0 =	sld [smem:$0x3FD0];
	(tm) =	ssettm $0x1  }
0x8e: {  	s16 =	sld [smem:$0x3FFB];
	_ =	sdelay $0x3  }
0x8f: {  	_ =	strace s16  }
0x90: {  	s1 =	sld [smem:$0x3FFC];
	_ =	sdelay $0x3  }
0x91: {  	_ =	strace s1  }
0x92: {  	s1 =	sld [smem:$0x3FFD];
	_ =	sdelay $0x3  }
0x93: {  	_ =	strace s1  }
0x94: {  	_ =	strace $0x8FFFFFFF  }
0x95: {  	s17 =	sld [smem:$0x3FDB];
	_ =	sdelay $0x1  }
0x96: {  	s2 =	simm.s32 $_scs_section_size  }
0x97: {  	s3 =	simm.s32 $_size__tile_overlayer_lowered;
	s4 =	simm.s32 $_tile_overlayer_lowered  }
0x98: {  	s20 =	simm.s32 $0x1BFF;
	s19 =	sshll.u32 s4, $0x1;
	s1 =	sadd.s32 s2, s17  }
0x99: {  	s5 =	simm.s32 $0x0;
	s18 =	sshll.u32 s3, $0x1;
	s3 =	sadd.s32 s19, s1  }
0x9a: {  	[timem:s5], [sflag:s20] =	dma.local [hbm:s3], s18  }
0x9b: {  	_ =	swait.ge [sflag:s20], s18  }
0x9c: {  	s2 =	ssub.s32 $0x0, s18;
	[sflag:s20] =	ssyncset.done $0x0  }
0x9d: {  	[sflag:s20] =	ssyncadd.s32 s2;
	_ =	sdelay $0x1  }
0x9e: {  	s21 =	simm.s32 $0x1B8B  }
0x9f: {  	_ =	swait.ge [sflag:s21], $0x1  }
0xa0: {  	[sflag:s21] =	ssyncset.done $0x0  }
0xa1: {  	s23 =	simm.s32 $0x1B8E;
	s22 =	sld [smem:$0x3FFE];
	[sflag:s21] =	ssyncadd.s32 $0xFFFFFFFF  }
0xa2: {  	s24 =	simm.s32 $execute0_lowered;
	[smem:$0x3FD2] =	sst s23  }
0xa3: {  	s3 =	sshll.u32 s24, $0x1;
	_ =	strace $0x80000046;
	[dreg:$0x1] =	wrdreg $0xFFFFFFFF  }
0xa4: {  	s25 =	simm.s32 $_size_execute0_lowered;
	s1 =	sadd.s32 s1, s3;
	[dreg:$0x0] =	wrdreg $0x0  }
0xa5: {  	s3 =	sshll.u32 s25, $0x1;
	[dreg:$0x2] =	wrdreg s1  }
0xa6: {  	[dreg:$0x3] =	wrdreg s3  }
0xa7: {  	[dreg:$0x4] =	wrdreg $0xC0  }
0xa8: {  	_ =	task [dreg:s5], $0x5FFFF  }
0xa9: {  	[dreg:$0x1] =	wrdreg $0xFFFFFFFF  }
0xaa: {  	[dreg:$0x0] =	wrdreg $0x60  }
0xab: {  	[dreg:$0x2] =	wrdreg s22  }
0xac: {  	[dreg:$0x3] =	wrdreg s0  }
0xad: {  	[dreg:$0x4] =	wrdreg $0xB1800  }
0xae: {  	[dreg:$0x5] =	wrdreg $0xB9800  }
0xaf: {  	[dreg:$0x6] =	wrdreg $0x9  }
0xb0: {  	_ =	task.clear_ibuf [dreg:s5], $0x7FFFF;
	_ =	strace $0x90000046  }
0xb1: {  	s26 =	simm.s32 $0x9;
	_ =	strace $0x80000048  }
0xb2: {  	_ =	swait.ge [sflag:s26], $0x1  }
0xb3: {  	[sflag:s26] =	ssyncadd.s32 $0xFFFFFFFF  }
0xb4: {  	_ =	strace $0x90000048  }
0xb5: {  	_ =	sfence  }
0xb6: {  	s28 =	sld [smem:$0x0];
	_ =	sdelay $0x1  }
0xb7: {  	s29 =	srdreg.scid  }
0xb8: {  	s30 =	sshll.u32 s29, $0xD;
	s31 =	sshrl.u32 s29, $0x2  }
0xb9: {  	s2 =	sand.u32 $0x4000, s30;
	s1 =	sand.u32 $0x1, s29;
	s0 =	sadd.s32 s31, s28  }
0xba: {  	s1 =	sor.u32 s2, s1;
	s0 =	sshll.u32 s0, $0x11  }
0xbb: {  	s0 =	sor.u32 s0, s1  }
0xbc: {  	s0 =	sadd.s32 $0x8F2B, s0  }
0xbd: {  	[sflag:s0] =	ssyncadd.remote.s32 $0x1  }
0xbe: {  	_ =	sfence.sel $0xFFFF  }
0xbf: {  	[dreg:$0x0] =	wrdreg $0xFFFFFFFF;
	(pc) =	sbr.abs _section_cstart, $3  }
0xc0: {  	[dreg:$0x1] =	wrdreg $0xFFFFFFFF  }
0xc1: {  	_ =	task.clear_ibuf [dreg:s5], $0x2FFFF;
	_ =	strace $0x9FFFFFFF  }
0xc2: {  	(tm) =	ssettm $0x7FFFFFFF  }
0xc3: {  	_ =	shalt  }
tec
execute0_lowered:
.L_overlay_start_1:
0x0: {  	(tag) =	ssettag $0x1  }
0x1: {  	s4 =	rddreg [dreg:$0x0]  }
0x2: {  	s1 =	rddreg [dreg:$0x1]  }
0x3: {  	s2 =	rddreg [dreg:$0x2]  }
0x4: {  	s3 =	rddreg [dreg:$0x3];
	s5 =	simm.s32 $0x0  }
0x5: {  	s6 =	simm.s32 $0x2200;
	v0 =	vimm.f32 $0.0e+00;
	[smem:$0x7FF] =	sst s5  }
0x6: {  	s0 =	rddreg [dreg:$0x4];
	_ =	strace $0x80000047;
	[tilespmem:s6+$0xFFFFFE00] =	vst v0  }
0x7: {  	[tilespmem:s6+$0x1F0] =	vst v0  }
0x8: {  	[tilespmem:s6+$0x1E0] =	vst v0  }
0x9: {  	[tilespmem:s6+$0x1D0] =	vst v0  }
0xa: {  	[tilespmem:s6+$0x1C0] =	vst v0  }
0xb: {  	[tilespmem:s6+$0x1B0] =	vst v0  }
0xc: {  	[tilespmem:s6+$0x1A0] =	vst v0  }
0xd: {  	[tilespmem:s6+$0x190] =	vst v0  }
0xe: {  	[tilespmem:s6+$0x180] =	vst v0  }
0xf: {  	[tilespmem:s6+$0x170] =	vst v0  }
0x10: {  	[tilespmem:s6+$0x160] =	vst v0  }
0x11: {  	[tilespmem:s6+$0x150] =	vst v0  }
0x12: {  	[tilespmem:s6+$0x140] =	vst v0  }
0x13: {  	[tilespmem:s6+$0x130] =	vst v0  }
0x14: {  	[tilespmem:s6+$0x120] =	vst v0  }
0x15: {  	[tilespmem:s6+$0x110] =	vst v0  }
0x16: {  	[tilespmem:s6+$0x100] =	vst v0  }
0x17: {  	[tilespmem:s6+$0xF0] =	vst v0  }
0x18: {  	[tilespmem:s6+$0xE0] =	vst v0  }
0x19: {  	[tilespmem:s6+$0xD0] =	vst v0  }
0x1a: {  	[tilespmem:s6+$0xC0] =	vst v0  }
0x1b: {  	[tilespmem:s6+$0xB0] =	vst v0  }
0x1c: {  	[tilespmem:s6+$0xA0] =	vst v0  }
0x1d: {  	[tilespmem:s6+$0x90] =	vst v0  }
0x1e: {  	[tilespmem:s6+$0x80] =	vst v0  }
0x1f: {  	[tilespmem:s6+$0x70] =	vst v0  }
0x20: {  	[tilespmem:s6+$0x60] =	vst v0  }
0x21: {  	[tilespmem:s6+$0x50] =	vst v0  }
0x22: {  	[tilespmem:s6+$0x40] =	vst v0  }
0x23: {  	[tilespmem:s6+$0x30] =	vst v0  }
0x24: {  	[tilespmem:s6+$0x20] =	vst v0  }
0x25: {  	[tilespmem:s6+$0x10] =	vst v0  }
0x26: {  	[tilespmem:s6+$0x0] =	vst v0  }
0x27: {  	[tilespmem:s6+$0xFFFFFFF0] =	vst v0  }
0x28: {  	[tilespmem:s6+$0xFFFFFFE0] =	vst v0  }
0x29: {  	[tilespmem:s6+$0xFFFFFFD0] =	vst v0  }
0x2a: {  	[tilespmem:s6+$0xFFFFFFC0] =	vst v0  }
0x2b: {  	[tilespmem:s6+$0xFFFFFFB0] =	vst v0  }
0x2c: {  	[tilespmem:s6+$0xFFFFFFA0] =	vst v0  }
0x2d: {  	[tilespmem:s6+$0xFFFFFF90] =	vst v0  }
0x2e: {  	[tilespmem:s6+$0xFFFFFF80] =	vst v0  }
0x2f: {  	[tilespmem:s6+$0xFFFFFF70] =	vst v0  }
0x30: {  	[tilespmem:s6+$0xFFFFFF60] =	vst v0  }
0x31: {  	[tilespmem:s6+$0xFFFFFF50] =	vst v0  }
0x32: {  	[tilespmem:s6+$0xFFFFFF40] =	vst v0  }
0x33: {  	[tilespmem:s6+$0xFFFFFF30] =	vst v0  }
0x34: {  	[tilespmem:s6+$0xFFFFFF20] =	vst v0  }
0x35: {  	[tilespmem:s6+$0xFFFFFF10] =	vst v0  }
0x36: {  	[tilespmem:s6+$0xFFFFFF00] =	vst v0  }
0x37: {  	[tilespmem:s6+$0xFFFFFEF0] =	vst v0  }
0x38: {  	[tilespmem:s6+$0xFFFFFEE0] =	vst v0  }
0x39: {  	[tilespmem:s6+$0xFFFFFED0] =	vst v0  }
0x3a: {  	[tilespmem:s6+$0xFFFFFEC0] =	vst v0  }
0x3b: {  	[tilespmem:s6+$0xFFFFFEB0] =	vst v0  }
0x3c: {  	[tilespmem:s6+$0xFFFFFEA0] =	vst v0  }
0x3d: {  	[tilespmem:s6+$0xFFFFFE90] =	vst v0  }
0x3e: {  	[tilespmem:s6+$0xFFFFFE80] =	vst v0  }
0x3f: {  	[tilespmem:s6+$0xFFFFFE70] =	vst v0  }
0x40: {  	[tilespmem:s6+$0xFFFFFE60] =	vst v0  }
0x41: {  	[tilespmem:s6+$0xFFFFFE50] =	vst v0  }
0x42: {  	[tilespmem:s6+$0xFFFFFE40] =	vst v0  }
0x43: {  	[tilespmem:s6+$0xFFFFFE30] =	vst v0  }
0x44: {  	s10 =	stileid.u32;
	s7 =	simm.s32 $0x0;
	s4 =	sadd.s32 $0x600, s4;
	[tilespmem:s6+$0xFFFFFE20] =	vst v0  }
.LBB2_1:
0x45: {  	s7 =	sadd.s32 $0x8, s7;
	[tilespmem:s6+$0xFFFFFE10] =	vst v0;
	s6 =	sadd.s32 $0x400, s6  }
0x46: {  	[tilespmem:s6+$0xFFFFFE00] =	vst v0;
	p0 =	slt.u32 s7, $0xF8  }
0x47: {  	[tilespmem:s6+$0x1F0] =	vst v0  }
0x48: {  	[tilespmem:s6+$0x1E0] =	vst v0  }
0x49: {  	[tilespmem:s6+$0x1D0] =	vst v0  }
0x4a: {  	[tilespmem:s6+$0x1C0] =	vst v0  }
0x4b: {  	[tilespmem:s6+$0x1B0] =	vst v0  }
0x4c: {  	[tilespmem:s6+$0x1A0] =	vst v0  }
0x4d: {  	[tilespmem:s6+$0x190] =	vst v0  }
0x4e: {  	[tilespmem:s6+$0x180] =	vst v0  }
0x4f: {  	[tilespmem:s6+$0x170] =	vst v0  }
0x50: {  	[tilespmem:s6+$0x160] =	vst v0  }
0x51: {  	[tilespmem:s6+$0x150] =	vst v0  }
0x52: {  	[tilespmem:s6+$0x140] =	vst v0  }
0x53: {  	[tilespmem:s6+$0x130] =	vst v0  }
0x54: {  	[tilespmem:s6+$0x120] =	vst v0  }
0x55: {  	[tilespmem:s6+$0x110] =	vst v0  }
0x56: {  	[tilespmem:s6+$0x100] =	vst v0  }
0x57: {  	[tilespmem:s6+$0xF0] =	vst v0  }
0x58: {  	[tilespmem:s6+$0xE0] =	vst v0  }
0x59: {  	[tilespmem:s6+$0xD0] =	vst v0  }
0x5a: {  	[tilespmem:s6+$0xC0] =	vst v0  }
0x5b: {  	[tilespmem:s6+$0xB0] =	vst v0  }
0x5c: {  	[tilespmem:s6+$0xA0] =	vst v0  }
0x5d: {  	[tilespmem:s6+$0x90] =	vst v0  }
0x5e: {  	[tilespmem:s6+$0x80] =	vst v0  }
0x5f: {  	[tilespmem:s6+$0x70] =	vst v0  }
0x60: {  	[tilespmem:s6+$0x60] =	vst v0  }
0x61: {  	[tilespmem:s6+$0x50] =	vst v0  }
0x62: {  	[tilespmem:s6+$0x40] =	vst v0  }
0x63: {  	[tilespmem:s6+$0x30] =	vst v0  }
0x64: {  	[tilespmem:s6+$0x20] =	vst v0  }
0x65: {  	[tilespmem:s6+$0x10] =	vst v0  }
0x66: {  	[tilespmem:s6+$0x0] =	vst v0  }
0x67: {  	[tilespmem:s6+$0xFFFFFFF0] =	vst v0  }
0x68: {  	[tilespmem:s6+$0xFFFFFFE0] =	vst v0  }
0x69: {  	[tilespmem:s6+$0xFFFFFFD0] =	vst v0  }
0x6a: {  	[tilespmem:s6+$0xFFFFFFC0] =	vst v0  }
0x6b: {  	[tilespmem:s6+$0xFFFFFFB0] =	vst v0  }
0x6c: {  	[tilespmem:s6+$0xFFFFFFA0] =	vst v0  }
0x6d: {  	[tilespmem:s6+$0xFFFFFF90] =	vst v0  }
0x6e: {  	[tilespmem:s6+$0xFFFFFF80] =	vst v0  }
0x6f: {  	[tilespmem:s6+$0xFFFFFF70] =	vst v0  }
0x70: {  	[tilespmem:s6+$0xFFFFFF60] =	vst v0  }
0x71: {  	[tilespmem:s6+$0xFFFFFF50] =	vst v0  }
0x72: {  	[tilespmem:s6+$0xFFFFFF40] =	vst v0  }
0x73: {  	[tilespmem:s6+$0xFFFFFF30] =	vst v0  }
0x74: {  	[tilespmem:s6+$0xFFFFFF20] =	vst v0  }
0x75: {  	[tilespmem:s6+$0xFFFFFF10] =	vst v0  }
0x76: {  	[tilespmem:s6+$0xFFFFFF00] =	vst v0  }
0x77: {  	[tilespmem:s6+$0xFFFFFEF0] =	vst v0  }
0x78: {  	[tilespmem:s6+$0xFFFFFEE0] =	vst v0  }
0x79: {  	[tilespmem:s6+$0xFFFFFED0] =	vst v0  }
0x7a: {  	[tilespmem:s6+$0xFFFFFEC0] =	vst v0  }
0x7b: {  	[tilespmem:s6+$0xFFFFFEB0] =	vst v0  }
0x7c: {  	[tilespmem:s6+$0xFFFFFEA0] =	vst v0  }
0x7d: {  	[tilespmem:s6+$0xFFFFFE90] =	vst v0  }
0x7e: {  	[tilespmem:s6+$0xFFFFFE80] =	vst v0  }
0x7f: {  	[tilespmem:s6+$0xFFFFFE70] =	vst v0  }
.Ltmp0:
0x80: {  	[tilespmem:s6+$0xFFFFFE60] =	vst v0;
	(pc) =	sbr.rel @p0 .LBB2_1-.Ltmp0, $4  }
0x81: {  	[tilespmem:s6+$0xFFFFFE50] =	vst v0  }
0x82: {  	[tilespmem:s6+$0xFFFFFE40] =	vst v0  }
0x83: {  	[tilespmem:s6+$0xFFFFFE30] =	vst v0  }
0x84: {  	[tilespmem:s6+$0xFFFFFE20] =	vst v0  }
0x85: {  	[tilespmem:s6+$0xFFFFFE10] =	vst v0;
	p0 =	por $0x1, $0x1;
	v0 =	vlaneseq.u32  }
.LBB2_3:
0x86: {  	v1 =	vmov s5  }
0x87: {  	v2 =	vor.u32 $0x10, v1;
	v3 =	vor.u32 $0x20, v1  }
0x88: {  	v5 =	vor.u32 $0x30, v1;
	v60 =	vor.u32 $0x40, v1;
	v61 =	vor.u32 $0x50, v1  }
0x89: {  	v63 =	vor.u32 $0x60, v1;
	v1 =	vor.u32 $0x70, v1;
	v2 =	vbroadcast v2, $0x0  }
0x8a: {  	v4 =	vor.u32 s5, v0;
	v1 =	vbroadcast v1, $0x0  }
0x8b: {  	[tilespmem:s5+$0xA800] =	vst v4;
	v3 =	vbroadcast v3, $0x0;
	v2 =	vor.u32 v0, v2  }
0x8c: {  	v59 =	vbroadcast v5, $0x0;
	v1 =	vor.u32 v0, v1;
	[tilespmem:s5+$0xA810] =	vst v2  }
0x8d: {  	p1 =	por p0, p0;
	v2 =	vor.u32 v0, v3;
	v3 =	vbroadcast v60, $0x0;
	[tilespmem:s5+$0xA870] =	vst v1  }
.Ltmp1:
0x8e: {  	v62 =	vbroadcast v61, $0x0;
	[tilespmem:s5+$0xA820] =	vst v2;
	v2 =	vor.u32 v0, v59;
	(pc) =	sbr.rel @p1 .LBB2_3-.Ltmp1, $4  }
0x8f: {  	[tilespmem:s5+$0xA830] =	vst v2;
	v2 =	vor.u32 v0, v3;
	v3 =	vbroadcast v63, $0x0  }
0x90: {  	[tilespmem:s5+$0xA840] =	vst v2;
	v2 =	vor.u32 v0, v62  }
0x91: {  	[tilespmem:s5+$0xA850] =	vst v2;
	v2 =	vor.u32 v0, v3  }
0x92: {  	p0 =	por $0x0, $0x0;
	[tilespmem:s5+$0xA860] =	vst v2;
	s5 =	simm.s32 $0x80  }
0x93: {  	p0 =	sne.s32 s10, $0x0;
	s8 =	sshll.u32 s10, $0x11  }
0x94: {  	s31 =	sshll.u32 s10, $0xE;
	s6 =	sshll.u32 s10, $0xB;
	s12 =	sshll.u32 s10, $0x7  }
0x95: {  	s10 =	simm.s32 $0x0;
	s5 =	simm.s32 @!p0 $0x2000;
	s11 =	simm.s32 @!p0 $0x3  }
0x96: {  	[spmem:s2] =	stream.linear.scatter @!p0 [tilespmem:s5], [sflag:$0x3], $0x8000, $0x38;
	[tilespmem:$0xB990] =	vst v63  }
0x97: {  	s13 =	simm.s32 $0x2000;
	s14 =	simm.s32 $0x2;
	_ =	swait.ge @!p0 [sflag:s11], $0x8000  }
0x98: {  	s15 =	simm.s32 $0x0;
	s9 =	sor.u32 $0x2000, s8;
	[sflag:s11] =	ssyncset.done @!p0 $0x0  }
0x99: {  	s7 =	sadd.s32 s6, s2;
	s5 =	sadd.s32 s4, s31;
	[sflag:s11] =	ssyncadd.s32 @!p0 $0xFFFF8000  }
0x9a: {  	[tilespmem:s10], [sflag:$0x1] =	stream.linear.gather [hbm4b:s5+s10], $0x1000, $0x38;
	[tilespmem:$0xB990] =	vst v63  }
0x9b: {  	v0 =	vimm.f32 $1.000000000e+00;
	s11 =	simm.s32 $0x1;
	s5 =	sadd.s32 s12, s3;
	s12 =	simm.s32 $0x1000  }
.LBB2_5:
0x9c: {  	s16 =	sshll.u32 s15, $0xD  }
0x9d: {  	s17 =	sor.u32 s16, s8  }
0x9e: {  	_ =	swait.ge [sflag:s11], $0x1000;
	s17 =	sshrl.u32 s17, $0x3  }
0x9f: {  	s31 =	sand.u32 $0xC00, s10;
	[sflag:s11] =	ssyncset.done $0x0;
	s17 =	sadd.s32 s17, s4  }
0xa0: {  	s18 =	sand.u32 $0x380, s10;
	[sflag:s11] =	ssyncadd.s32 $0xFFFFF000;
	s17 =	sadd.s32 $0x200, s17  }
0xa1: {  	[tilespmem:s12], [sflag:$0x2] =	stream.linear.gather [hbm4b:s17+s10], $0x1000, $0x38;
	[tilespmem:$0xB990] =	vst v63  }
0xa2: {  	s17 =	sor.u32 s18, s31  }
0xa3: {  	v1 =	vld [tilespmem:s17+$0x70]  }
0xa4: {  	v2 =	vld [tilespmem:s17+$0x0];
	_ =	sdelay $0x1  }
0xa5: {  	v3 =	vld [tilespmem:s17+$0x10];
	_ =	sdelay $0x1  }
0xa6: {  	v4 =	vld [tilespmem:s17+$0x20];
	v5 =	vand.u32 $0xFFFF, v1  }
0xa7: {  	v6 =	vld [tilespmem:s17+$0x30];
	v8 =	vand.u32 $0xFFFF, v2  }
0xa8: {  	v7 =	vld [tilespmem:s17+$0x40];
	v1 =	vshrl.u32 v1, $0x10  }
0xa9: {  	v9 =	vld [tilespmem:s17+$0x50];
	v10 =	vand.u32 $0xFFFF, v3  }
0xaa: {  	v11 =	vld [tilespmem:s17+$0x60];
	v2 =	vshrl.u32 v2, $0x10  }
0xab: {  	v3 =	vshrl.u32 v3, $0x10;
	[tilespmem:v5+s13+$0x0] =	vst.idx.add.f32.msk $0xffff, v0  }
0xac: {  	v5 =	vand.u32 $0xFFFF, v4;
	[tilespmem:v8+s13+$0x0] =	vst.idx.add.f32.msk $0xffff, v0  }
0xad: {  	[tilespmem:v1+s13+$0x0] =	vst.idx.add.f32.msk $0xffff, v0;
	v1 =	vshrl.u32 v4, $0x10;
	v4 =	vand.u32 $0xFFFF, v6  }
0xae: {  	[tilespmem:v10+s13+$0x0] =	vst.idx.add.f32.msk $0xffff, v0  }
0xaf: {  	[tilespmem:v2+s13+$0x0] =	vst.idx.add.f32.msk $0xffff, v0;
	v2 =	vshrl.u32 v6, $0x10;
	v6 =	vand.u32 $0xFFFF, v7  }
0xb0: {  	[tilespmem:v3+s13+$0x0] =	vst.idx.add.f32.msk $0xffff, v0  }
0xb1: {  	v7 =	vshrl.u32 v7, $0x10;
	[tilespmem:v5+s13+$0x0] =	vst.idx.add.f32.msk $0xffff, v0  }
0xb2: {  	[tilespmem:v4+s13+$0x0] =	vst.idx.add.f32.msk $0xffff, v0;
	v4 =	vand.u32 $0xFFFF, v9  }
0xb3: {  	v3 =	vshrl.u32 v9, $0x10;
	[tilespmem:v1+s13+$0x0] =	vst.idx.add.f32.msk $0xffff, v0  }
0xb4: {  	[tilespmem:v6+s13+$0x0] =	vst.idx.add.f32.msk $0xffff, v0  }
0xb5: {  	[tilespmem:v2+s13+$0x0] =	vst.idx.add.f32.msk $0xffff, v0  }
0xb6: {  	s19 =	simm.s32 $0x20;
	s18 =	simm.s32 $0x400;
	s17 =	simm.s32 $0x0;
	v1 =	vshrl.u32 v11, $0x10;
	v2 =	vand.u32 $0xFFFF, v11;
	[tilespmem:v7+s13+$0x0] =	vst.idx.add.f32.msk $0xffff, v0  }
.LBB2_6:
0xb7: {  	s20 =	sand.u32 $0xC00, s18;
	s21 =	sand.u32 $0x380, s19;
	[tilespmem:v4+s13+$0x0] =	vst.idx.add.f32.msk $0xffff, v0  }
0xb8: {  	s17 =	sadd.s32 $0x8, s17;
	s20 =	sor.u32 s21, s20;
	[tilespmem:v3+s13+$0x0] =	vst.idx.add.f32.msk $0xffff, v0  }
0xb9: {  	p1 =	slt.u32 s17, $0xF8;
	v3 =	vld [tilespmem:s20+$0x70]  }
0xba: {  	v4 =	vld [tilespmem:s20+$0x0]  }
0xbb: {  	v5 =	vld [tilespmem:s20+$0x10]  }
0xbc: {  	v6 =	vld [tilespmem:s20+$0x20]  }
0xbd: {  	v7 =	vld [tilespmem:s20+$0x30]  }
0xbe: {  	v8 =	vld [tilespmem:s20+$0x40];
	v9 =	vand.u32 $0xFFFF, v3  }
0xbf: {  	v12 =	vshrl.u32 v3, $0x10;
	v10 =	vshrl.u32 v4, $0x10;
	v11 =	vand.u32 $0xFFFF, v4;
	v4 =	vld [tilespmem:s20+$0x50]  }
0xc0: {  	v13 =	vshrl.u32 v5, $0x10;
	v5 =	vand.u32 $0xFFFF, v5;
	v14 =	vld [tilespmem:s20+$0x60]  }
0xc1: {  	v15 =	vshrl.u32 v6, $0x10;
	v6 =	vand.u32 $0xFFFF, v6;
	[tilespmem:v2+s13+$0x0] =	vst.idx.add.f32.msk $0xffff, v0  }
0xc2: {  	v16 =	vshrl.u32 v7, $0x10;
	v7 =	vand.u32 $0xFFFF, v7;
	[tilespmem:v1+s13+$0x0] =	vst.idx.add.f32.msk $0xffff, v0  }
0xc3: {  	v17 =	vshrl.u32 v8, $0x10;
	v8 =	vand.u32 $0xFFFF, v8;
	[tilespmem:v9+s13+$0x0] =	vst.idx.add.f32.msk $0xffff, v0  }
0xc4: {  	v3 =	vshrl.u32 v4, $0x10;
	v4 =	vand.u32 $0xFFFF, v4;
	[tilespmem:v12+s13+$0x0] =	vst.idx.add.f32.msk $0xffff, v0  }
0xc5: {  	[tilespmem:v11+s13+$0x0] =	vst.idx.add.f32.msk $0xffff, v0;
	v1 =	vshrl.u32 v14, $0x10;
	v2 =	vand.u32 $0xFFFF, v14  }
0xc6: {  	[tilespmem:v10+s13+$0x0] =	vst.idx.add.f32.msk $0xffff, v0  }
0xc7: {  	[tilespmem:v5+s13+$0x0] =	vst.idx.add.f32.msk $0xffff, v0  }
0xc8: {  	[tilespmem:v13+s13+$0x0] =	vst.idx.add.f32.msk $0xffff, v0  }
0xc9: {  	[tilespmem:v6+s13+$0x0] =	vst.idx.add.f32.msk $0xffff, v0  }
.Ltmp2:
0xca: {  	[tilespmem:v15+s13+$0x0] =	vst.idx.add.f32.msk $0xffff, v0;
	(pc) =	sbr.rel @p1 .LBB2_6-.Ltmp2, $4  }
0xcb: {  	[tilespmem:v7+s13+$0x0] =	vst.idx.add.f32.msk $0xffff, v0  }
0xcc: {  	[tilespmem:v16+s13+$0x0] =	vst.idx.add.f32.msk $0xffff, v0  }
0xcd: {  	[tilespmem:v8+s13+$0x0] =	vst.idx.add.f32.msk $0xffff, v0  }
0xce: {  	s18 =	sadd.s32 $0x400, s18;
	s19 =	sadd.s32 $0x20, s19;
	[tilespmem:v17+s13+$0x0] =	vst.idx.add.f32.msk $0xffff, v0  }
0xcf: {  	_ =	sdelay $0x3  }
0xd0: {  	[tilespmem:v4+s13+$0x0] =	vst.idx.add.f32.msk $0xffff, v0  }
0xd1: {  	[tilespmem:v2+s13+$0x0] =	vst.idx.add.f32.msk $0xffff, v0  }
0xd2: {  	[tilespmem:v3+s13+$0x0] =	vst.idx.add.f32.msk $0xffff, v0  }
0xd3: {  	p1 =	seq.s32 s15, $0xF;
	[tilespmem:v1+s13+$0x0] =	vst.idx.add.f32.msk $0xffff, v0  }
0xd4: {  	s16 =	sadd.s32 @!p1 s16, s9;
	_ =	swait.ge [sflag:s14], $0x1000  }
0xd5: {  	s30 =	simm.s32 $0x0;
	s16 =	sshrl.u32 @!p1 s16, $0x3;
	[sflag:s14] =	ssyncset.done $0x0  }
0xd6: {  	s17 =	simm.s32 @!p1 $0x0;
	s16 =	sadd.s32 @!p1 s4, s16;
	[sflag:s14] =	ssyncadd.s32 $0xFFFFF000  }
0xd7: {  	[tilespmem:s17], [sflag:$0x1] =	stream.linear.gather @!p1 [hbm4b:s16+s17], $0x1000, $0x38;
	[tilespmem:$0xB990] =	vst v63  }
0xd8: {  	s31 =	sand.u32 $0xC00, s30;
	s16 =	sand.u32 $0x380, s30  }
0xd9: {  	s16 =	sor.u32 s16, s31  }
0xda: {  	v1 =	vld [tilespmem:s16+$0x1070]  }
0xdb: {  	v2 =	vld [tilespmem:s16+$0x1000];
	_ =	sdelay $0x1  }
0xdc: {  	v3 =	vld [tilespmem:s16+$0x1010];
	_ =	sdelay $0x1  }
0xdd: {  	v4 =	vld [tilespmem:s16+$0x1020];
	v5 =	vand.u32 $0xFFFF, v1  }
0xde: {  	v6 =	vld [tilespmem:s16+$0x1030];
	v8 =	vand.u32 $0xFFFF, v2  }
0xdf: {  	v7 =	vld [tilespmem:s16+$0x1040];
	v1 =	vshrl.u32 v1, $0x10  }
0xe0: {  	v9 =	vld [tilespmem:s16+$0x1050];
	v10 =	vand.u32 $0xFFFF, v3  }
0xe1: {  	v11 =	vld [tilespmem:s16+$0x1060];
	v2 =	vshrl.u32 v2, $0x10  }
0xe2: {  	v3 =	vshrl.u32 v3, $0x10;
	[tilespmem:v5+s13+$0x0] =	vst.idx.add.f32.msk $0xffff, v0  }
0xe3: {  	v5 =	vand.u32 $0xFFFF, v4;
	[tilespmem:v8+s13+$0x0] =	vst.idx.add.f32.msk $0xffff, v0  }
0xe4: {  	[tilespmem:v1+s13+$0x0] =	vst.idx.add.f32.msk $0xffff, v0;
	v1 =	vshrl.u32 v4, $0x10;
	v4 =	vand.u32 $0xFFFF, v6  }
0xe5: {  	[tilespmem:v10+s13+$0x0] =	vst.idx.add.f32.msk $0xffff, v0  }
0xe6: {  	[tilespmem:v2+s13+$0x0] =	vst.idx.add.f32.msk $0xffff, v0;
	v2 =	vshrl.u32 v6, $0x10;
	v6 =	vand.u32 $0xFFFF, v7  }
0xe7: {  	[tilespmem:v3+s13+$0x0] =	vst.idx.add.f32.msk $0xffff, v0  }
0xe8: {  	v7 =	vshrl.u32 v7, $0x10;
	[tilespmem:v5+s13+$0x0] =	vst.idx.add.f32.msk $0xffff, v0  }
0xe9: {  	[tilespmem:v4+s13+$0x0] =	vst.idx.add.f32.msk $0xffff, v0;
	v4 =	vand.u32 $0xFFFF, v9  }
0xea: {  	v3 =	vshrl.u32 v9, $0x10;
	[tilespmem:v1+s13+$0x0] =	vst.idx.add.f32.msk $0xffff, v0  }
0xeb: {  	[tilespmem:v6+s13+$0x0] =	vst.idx.add.f32.msk $0xffff, v0  }
0xec: {  	[tilespmem:v2+s13+$0x0] =	vst.idx.add.f32.msk $0xffff, v0  }
0xed: {  	s18 =	simm.s32 $0x20;
	s17 =	simm.s32 $0x400;
	s16 =	simm.s32 $0x0;
	v1 =	vshrl.u32 v11, $0x10;
	v2 =	vand.u32 $0xFFFF, v11;
	[tilespmem:v7+s13+$0x0] =	vst.idx.add.f32.msk $0xffff, v0  }
.LBB2_8:
0xee: {  	s19 =	sand.u32 $0xC00, s17;
	s20 =	sand.u32 $0x380, s18;
	[tilespmem:v4+s13+$0x0] =	vst.idx.add.f32.msk $0xffff, v0  }
0xef: {  	s16 =	sadd.s32 $0x8, s16;
	s19 =	sor.u32 s20, s19;
	[tilespmem:v3+s13+$0x0] =	vst.idx.add.f32.msk $0xffff, v0  }
0xf0: {  	p1 =	slt.u32 s16, $0xF8;
	v3 =	vld [tilespmem:s19+$0x1070]  }
0xf1: {  	v4 =	vld [tilespmem:s19+$0x1000]  }
0xf2: {  	v5 =	vld [tilespmem:s19+$0x1010]  }
0xf3: {  	v6 =	vld [tilespmem:s19+$0x1020]  }
0xf4: {  	v7 =	vld [tilespmem:s19+$0x1030]  }
0xf5: {  	v8 =	vld [tilespmem:s19+$0x1040];
	v9 =	vand.u32 $0xFFFF, v3  }
0xf6: {  	v12 =	vshrl.u32 v3, $0x10;
	v10 =	vshrl.u32 v4, $0x10;
	v11 =	vand.u32 $0xFFFF, v4;
	v4 =	vld [tilespmem:s19+$0x1050]  }
0xf7: {  	v13 =	vshrl.u32 v5, $0x10;
	v5 =	vand.u32 $0xFFFF, v5;
	v14 =	vld [tilespmem:s19+$0x1060]  }
0xf8: {  	v15 =	vshrl.u32 v6, $0x10;
	v6 =	vand.u32 $0xFFFF, v6;
	[tilespmem:v2+s13+$0x0] =	vst.idx.add.f32.msk $0xffff, v0  }
0xf9: {  	v16 =	vshrl.u32 v7, $0x10;
	v7 =	vand.u32 $0xFFFF, v7;
	[tilespmem:v1+s13+$0x0] =	vst.idx.add.f32.msk $0xffff, v0  }
0xfa: {  	v17 =	vshrl.u32 v8, $0x10;
	v8 =	vand.u32 $0xFFFF, v8;
	[tilespmem:v9+s13+$0x0] =	vst.idx.add.f32.msk $0xffff, v0  }
0xfb: {  	v3 =	vshrl.u32 v4, $0x10;
	v4 =	vand.u32 $0xFFFF, v4;
	[tilespmem:v12+s13+$0x0] =	vst.idx.add.f32.msk $0xffff, v0  }
0xfc: {  	[tilespmem:v11+s13+$0x0] =	vst.idx.add.f32.msk $0xffff, v0;
	v1 =	vshrl.u32 v14, $0x10;
	v2 =	vand.u32 $0xFFFF, v14  }
0xfd: {  	[tilespmem:v10+s13+$0x0] =	vst.idx.add.f32.msk $0xffff, v0  }
0xfe: {  	[tilespmem:v5+s13+$0x0] =	vst.idx.add.f32.msk $0xffff, v0  }
0xff: {  	[tilespmem:v13+s13+$0x0] =	vst.idx.add.f32.msk $0xffff, v0  }
0x100: {  	[tilespmem:v6+s13+$0x0] =	vst.idx.add.f32.msk $0xffff, v0  }
.Ltmp3:
0x101: {  	[tilespmem:v15+s13+$0x0] =	vst.idx.add.f32.msk $0xffff, v0;
	(pc) =	sbr.rel @p1 .LBB2_8-.Ltmp3, $4  }
0x102: {  	[tilespmem:v7+s13+$0x0] =	vst.idx.add.f32.msk $0xffff, v0  }
0x103: {  	[tilespmem:v16+s13+$0x0] =	vst.idx.add.f32.msk $0xffff, v0  }
0x104: {  	[tilespmem:v8+s13+$0x0] =	vst.idx.add.f32.msk $0xffff, v0  }
0x105: {  	s17 =	sadd.s32 $0x400, s17;
	s18 =	sadd.s32 $0x20, s18;
	[tilespmem:v17+s13+$0x0] =	vst.idx.add.f32.msk $0xffff, v0  }
0x106: {  	_ = 	snop  }
0x107: {  	s15 =	sadd.s32 $0x1, s15  }
0x108: {  	p1 =	sne.s32 s15, $0x10  }
.Ltmp4:
0x109: {  	_ = 	snop;
	(pc) =	sbr.rel @p1 .LBB2_5-.Ltmp4, $4  }
0x10a: {  	[tilespmem:v4+s13+$0x0] =	vst.idx.add.f32.msk $0xffff, v0  }
0x10b: {  	[tilespmem:v2+s13+$0x0] =	vst.idx.add.f32.msk $0xffff, v0  }
0x10c: {  	[tilespmem:v3+s13+$0x0] =	vst.idx.add.f32.msk $0xffff, v0  }
0x10d: {  	[tilespmem:v1+s13+$0x0] =	vst.idx.add.f32.msk $0xffff, v0  }
0x10e: {  	[bflag:$0x0] =	sbarrier.arrive $0xFFFF;
	s4 =	simm.s32 $0x80  }
0x10f: {  	s8 =	simm.s32 $0xA800;
	s9 =	simm.s32 $0x2000;
	s25 =	simm.s32 $0x3  }
0x110: {  	[spmem:s2] =	stream.indirect.scatter.add.f32 [tilespmem:s9], [sflag:$0x3], $0x80, s8, s4, $0xb8;
	[tilespmem:$0xB990] =	vst v63  }
0x111: {  	_ =	swait.ge [sflag:s25], $0x4000  }
0x112: {  	[sflag:s25] =	ssyncset.done $0x0  }
0x113: {  	s26 =	simm.s32 $0xA880;
	s10 =	simm.s32 $0x6000;
	[sflag:s25] =	ssyncadd.s32 $0xFFFFC000  }
0x114: {  	[spmem:s2] =	stream.indirect.scatter.add.f32 [tilespmem:s10], [sflag:$0x3], $0x80, s26, s4, $0xb8;
	[tilespmem:$0xB990] =	vst v63  }
0x115: {  	_ =	swait.ge [sflag:s25], $0x4000  }
0x116: {  	[sflag:s25] =	ssyncset.done $0x0  }
0x117: {  	s29 =	simm.s32 $0x0;
	[sflag:s25] =	ssyncadd.s32 $0xFFFFC000  }
0x118: {  	s28 =	simm.s32 $0xA000;
	s31 =	sand.u32 $0xFFFFFF80, s29;
	[bflag:$0x0] =	sbarrier.arrive $0xFFFF  }
0x119: {  	[tilespmem:s28], [sflag:$0x3] =	stream.linear.gather [spmem:s7], $0x800, $0x38;
	[tilespmem:$0xB990] =	vst v63  }
0x11a: {  	s30 =	simm.s32 $0x0;
	s9 =	sadd.s32 s6, s31;
	_ =	swait.ge [sflag:s25], $0x800  }
0x11b: {  	s4 =	sand.u32 $0x3FFFFF80, s29;
	s7 =	sand.u32 $0x70, s30;
	[sflag:s25] =	ssyncset.done $0x0  }
0x11c: {  	s9 =	sor.u32 s7, s9;
	s7 =	sor.u32 s7, s4;
	[sflag:s25] =	ssyncadd.s32 $0xFFFFF800  }
0x11d: {  	v0 =	vimm.f32 $0.0e+00;
	v1 =	vlaneseq.u32;
	v3 =	vmov s9;
	v2 =	vld [tilespmem:s7+$0xA000]  }
0x11e: {  	v1 =	vmul.u32 $0x10000, v1;
	s4 =	simm.s32 $0x1;
	v4 =	vshll.u32 v3, $0x10;
	v3 =	vimm.f32 $0.0e+00;
	s7 =	simm.s32 $0x10  }
.LBB2_11:
0x11f: {  	s8 =	sshll.u32 s4, $0x4  }
0x120: {  	p1 =	sne.s32 s4, $0x7F;
	s4 =	sadd.s32 $0x1, s4;
	v4 =	vor.u32 v1, v4;
	s9 =	sand.u32 $0x70, s7  }
.Ltmp5:
0x121: {  	s10 =	sand.u32 $0x3FFFFF80, s8;
	s8 =	sand.u32 $0xFFFFFF80, s8;
	v4 =	vor.u32 $0x8000, v4;
	(pc) =	sbr.rel @p1 .LBB2_11-.Ltmp5, $4  }
0x122: {  	s10 =	sor.u32 s9, s10;
	s8 =	sadd.s32 s6, s8;
	v0 =	vadd.f32 v2, v0;
	v4 =	vmul.f32 v4, v2  }
0x123: {  	v2 =	vld [tilespmem:s10+$0xA000];
	s8 =	sor.u32 s9, s8  }
0x124: {  	v5 =	vmov s8;
	v3 =	vadd.f32 v4, v3  }
0x125: {  	s7 =	sadd.s32 $0x10, s7;
	v4 =	vshll.u32 v5, $0x10  }
0x126: {  	v1 =	vor.u32 v1, v4  }
0x127: {  	v1 =	vor.u32 $0x8000, v1  }
0x128: {  	v1 =	vmul.f32 v1, v2  }
0x129: {  	v0 =	vadd.f32 v2, v0  }
0x12a: {  	v1 =	vadd.f32 v1, v3  }
0x12b: {  	(xrf2) =	vadd.scan.msk.f32 $0xffff, v0  }
0x12c: {  	(xrf2) =	vadd.scan.msk.f32 $0xffff, v1;
	_ =	sdelay $0x8  }
0x12d: {  	v0, _, _ =	vpop (xrf2)  }
0x12e: {  	v1, _, _ =	vpop (xrf2)  }
0x12f: {  	v0 =	vbroadcast v0, $0xF;
	v1 =	vbroadcast v1, $0xF  }
0x130: {  	vm0 =	vmmov $0x1;
	vm1 =	vcmask $0x704  }
0x131: {  	v0 =	vnsel vm0, $0x0, v0;
	v1 =	vnsel vm1, $0x0, v1  }
0x132: {  	v0 =	vadd.f32 v1, v0;
	_ =	sdelay $0x1  }
0x133: {  	s4 =	simm.s32 $0xA900;
	[tilespmem:$0xA900] =	vst v0  }
0x134: {  	[spmem:s5] =	stream.linear.scatter [tilespmem:s4], [sflag:$0x3], $0x80, $0x38;
	[tilespmem:$0xB990] =	vst v63  }
0x135: {  	s4 =	simm.s32 $0x3  }
0x136: {  	_ =	swait.ge [sflag:s4], $0x80  }
0x137: {  	[sflag:s4] =	ssyncset.done $0x0  }
0x138: {  	[sflag:s4] =	ssyncadd.s32 $0xFFFFFF80  }
0x139: {  	[bflag:$0x0] =	sbarrier.arrive $0xFFFF  }
0x13a: {  	_ =	sfence.sel @p0 $0x180000  }
0x13b: {  	[bflag:$0x0] =	sbarrier.arrive @p0 $0xFFFF  }
0x13c: {  	_ =	strace @p0 $0x90000047  }
0x13d: {  	[bflag:$0x2] =	sbarrier.arrive @p0 $0xFFFF  }
0x13e: {  	_ =	shalt @p0  }
.LBB2_13:
0x13f: {  	s5 =	simm.s32 $0xA980  }
0x140: {  	[tilespmem:s5], [sflag:$0x3] =	stream.linear.gather [spmem:s3], $0x800, $0x38;
	[tilespmem:$0xB990] =	vst v63  }
0x141: {  	_ =	swait.ge [sflag:s4], $0x800  }
0x142: {  	[sflag:s4] =	ssyncset.done $0x0  }
0x143: {  	s26 =	simm.s32 $0xB100;
	[sflag:s4] =	ssyncadd.s32 $0xFFFFF800  }
0x144: {  	v0 =	vld [tilespmem:s26+$0x0];
	_ =	sdelay $0x4  }
0x145: {  	(v2sf) =	vpush v0, $0x0;
	_ =	sdelay $0x2  }
0x146: {  	(v2sf) =	vpush v0, $0x1;
	_ =	sdelay $0x2  }
0x147: {  	s28 =	simm.s32 $0xB080  }
0x148: {  	v1 =	vld [tilespmem:s28+$0x0];
	_ =	sdelay $0x3  }
0x149: {  	s29 =	simm.s32 $0xB000  }
0x14a: {  	v2 =	vld [tilespmem:s29+$0x0];
	(v2sf) =	vpush v1, $0x0  }
0x14b: {  	s14 =	simm.s32 $0xAF80  }
0x14c: {  	v0 =	vld [tilespmem:s14+$0x0]  }
0x14d: {  	s30 =	spop (v2sf);
	(v2sf) =	vpush v1, $0x1;
	_ =	sdelay $0x1  }
0x14e: {  	(v2sf) =	vpush v2, $0x0  }
0x14f: {  	s31 =	spop (v2sf);
	(v2sf) =	vpush v2, $0x1  }
0x150: {  	(v2sf) =	vpush v0, $0x0  }
0x151: {  	s3 =	simm.f32 $0.0e+00  }
0x152: {  	s8 =	sadd.f32 s30, s3  }
0x153: {  	s15 =	simm.s32 $0xF;
	s10 =	simm.s32 $0xE;
	s12 =	simm.s32 $0xD  }
0x154: {  	p1 =	por $0x1, $0x1;
	s13 =	simm.s32 $0xC;
	p0 =	sge.f32 s8, $1.600000000e+06  }
0x155: {  	s16 =	simm.s32 $0xB;
	s7 =	simm.f32 $0.0e+00;
	s9 =	simm.f32 $0.0e+00  }
0x156: {  	s5 =	simm.s32 $0xFFFFFFFF;
	s4 =	simm.f32 $0.0e+00;
	p0 =	por !p1, !p0  }
0x157: {  	s6 =	sadd.f32 s31, s3;
	s11 =	smov.u32 s8;
	p0 =	por !p0, !p0  }
.LBB2_14:
0x158: {  	s14 =	sadd.s32 $0xFFFFFF80, s14;
	s17 =	spop (v2sf);
	s3 =	smov.u32 @p0 s7  }
0x159: {  	s18 =	smov.u32 s16;
	s7 =	smov.u32 s6;
	p1 =	sne.s32 s16, $0x0  }
0x15a: {  	s5 =	smov.u32 @p0 s15;
	s16 =	sadd.s32 $0xFFFFFFFF, s16;
	(v2sf) =	vpush v0, $0x1;
	v0 =	vld [tilespmem:s14+$0x0];
	s8 =	sadd.f32 s17, s8  }
.Ltmp6:
0x15b: {  	s4 =	smov.u32 @p0 s9;
	s15 =	spop (v2sf);
	(pc) =	sbr.rel @p1 .LBB2_14-.Ltmp6, $4  }
0x15c: {  	s9 =	smov.u32 s11;
	p0 =	sge.f32 s8, $1.600000000e+06;
	s6 =	sadd.f32 s15, s6  }
0x15d: {  	p2 =	slt.s32 s5, $0x0;
	s11 =	smov.u32 s8;
	s15 =	smov.u32 s10  }
0x15e: {  	s10 =	smov.u32 s12;
	s12 =	smov.u32 s13;
	p0 =	por !p2, !p0  }
0x15f: {  	s13 =	smov.u32 s18;
	(v2sf) =	vpush v0, $0x0;
	p0 =	por !p0, !p0  }
0x160: {  	_ =	sdelay $0x5  }
0x161: {  	s14 =	spop (v2sf)  }
0x162: {  	s14 =	sadd.f32 s14, s8;
	_ =	sdelay $0x1  }
0x163: {  	s5 =	smov.u32 @p0 s15;
	s8 =	spop (v2sf);
	p1 =	sge.f32 s14, $1.600000000e+06  }
0x164: {  	p2 =	slt.s32 s5, $0x0;
	s16 =	spop (v2sf)  }
0x165: {  	s15 =	sadd.f32 s16, s14;
	p1 =	por !p2, !p1  }
0x166: {  	(v2sf) =	vpush v0, $0x1;
	p1 =	por !p1, !p1  }
0x167: {  	p4 =	sge.f32 s15, $1.600000000e+06;
	s5 =	smov.u32 @p1 s10;
	s10 =	spop (v2sf)  }
0x168: {  	p3 =	slt.s32 s5, $0x0;
	s16 =	spop (v2sf)  }
0x169: {  	p2 =	por !p3, !p4;
	s16 =	sadd.f32 s16, s15  }
0x16a: {  	p2 =	por !p2, !p2  }
0x16b: {  	s5 =	smov.u32 @p2 s12;
	p5 =	sge.f32 s16, $1.600000000e+06  }
0x16c: {  	p4 =	slt.s32 s5, $0x0  }
0x16d: {  	p3 =	por !p4, !p5  }
0x16e: {  	p3 =	por !p3, !p3  }
0x16f: {  	s5 =	smov.u32 @p3 s13  }
0x170: {  	s17 =	sshll.u32 s5, $0xD  }
0x171: {  	s12 =	sshra.s32 s17, $0x2  }
0x172: {  	s18 =	simm.s32 $0xA000;
	s2 =	sadd.s32 s12, s2  }
0x173: {  	[tilespmem:s18], [sflag:$0x3] =	stream.linear.gather [spmem:s2], $0x800, $0x38;
	[tilespmem:$0xB990] =	vst v63  }
0x174: {  	s20 =	simm.s32 $0x0;
	s21 =	simm.s32 $0x3;
	s2 =	simm.s32 $0x0  }
0x175: {  	s19 =	spop (v2sf);
	s12 =	sand.u32 $0xFFFFFF80, s20;
	s2 =	sxor.u32 $0xFFFFFFFF, s2  }
0x176: {  	s12 =	sxor.u32 $0x780, s12;
	_ =	swait.ge [sflag:s21], $0x800;
	s2 =	sand.u32 $0x70, s2  }
0x177: {  	[sflag:s21] =	ssyncset.done $0x0;
	s2 =	sor.u32 s2, s12  }
0x178: {  	[sflag:s21] =	ssyncadd.s32 $0xFFFFF800;
	s12 =	sor.u32 $0xA000, s2  }
0x179: {  	v3 =	vld [tilespmem:s12+$0x0]  }
0x17a: {  	v1 =	vlaneseq.u32  }
0x17b: {  	v0 =	vmul.u32 $0xFFFFFFFF, v1;
	_ =	sdelay $0x1  }
0x17c: {  	v0 =	vadd.s32 $0xF, v0  }
0x17d: {  	v4 =	vperm.xlane v3, v0;
	_ =	sdelay $0x1  }
0x17e: {  	(xrf2) =	vadd.scan.msk.f32 $0xffff, v4;
	_ =	sdelay $0x6  }
0x17f: {  	s4 =	smov.u32 @p0 s9  }
0x180: {  	s4 =	smov.u32 @p1 s11  }
0x181: {  	s22 =	simm.s32 $0x10;
	s23 =	simm.s32 $0x10;
	s4 =	smov.u32 @p2 s14  }
0x182: {  	s9 =	sand.u32 $0xFFFFFF80, s22;
	s11 =	sxor.u32 $0xFFFFFFFF, s23;
	s4 =	smov.u32 @p3 s15;
	v5, _, _ =	vpop (xrf2)  }
0x183: {  	s9 =	sxor.u32 $0x780, s9;
	s11 =	sand.u32 $0x70, s11;
	v2 =	vadd.f32 s4, v5  }
0x184: {  	s9 =	sor.u32 s11, s9  }
0x185: {  	s24 =	sor.u32 $0xA000, s9;
	vm0 =	vge.f32 v2, $1.600000000e+06  }
0x186: {  	s5 =	sshll.u32 s5, $0xB;
	v6 =	vld [tilespmem:s24+$0x0];
	v2 =	vmpcnt.ones.xlane vm0  }
0x187: {  	[dreg:$0x5] =	wrdreg s5;
	(v2sf) =	vpush v5, $0xF  }
0x188: {  	s25 =	rddreg [dreg:$0x5];
	(v2sf) =	vpush v2, $0x0  }
0x189: {  	s2 =	sor.u32 s25, s2  }
0x18a: {  	v7 =	vmov s2;
	v2 =	vmul.u32 $0x10000, v1  }
0x18b: {  	v7 =	vshll.u32 v7, $0x10;
	v8 =	vperm.xlane v6, v0  }
0x18c: {  	v7 =	vor.u32 v2, v7  }
0x18d: {  	(xrf2) =	vadd.scan.msk.f32 $0xffff, v8;
	v9 =	vor.u32 $0x8000, v7  }
0x18e: {  	v3 =	vmul.f32 v9, v3;
	_ =	sdelay $0x1  }
0x18f: {  	v3 =	vperm.xlane v3, v0;
	_ =	sdelay $0x1  }
0x190: {  	(xrf2) =	vadd.scan.msk.f32 $0xffff, v3  }
0x191: {  	s26 =	simm.s32 $0x20;
	s28 =	simm.s32 $0x20  }
0x192: {  	s5 =	sxor.u32 $0xFFFFFFFF, s28;
	s2 =	sand.u32 $0xFFFFFF80, s26  }
0x193: {  	s5 =	sand.u32 $0x70, s5;
	s2 =	sxor.u32 $0x780, s2  }
0x194: {  	s29 =	sor.u32 s5, s2;
	s30 =	spop (v2sf)  }
0x195: {  	s5 =	sor.u32 $0xA000, s29;
	v10, _, _ =	vpop (xrf2);
	s31 =	spop (v2sf)  }
0x196: {  	v11 =	vld [tilespmem:s5+$0x0];
	(v2sf) =	vpush v10, $0xF;
	s2 =	sadd.f32 s30, s4;
	s14 =	ssub.s32 $0x10, s31  }
0x197: {  	v12 =	vmov s14  }
0x198: {  	v7 =	vadd.f32 s2, v10  }
0x199: {  	vm13 =	veq.s32 v12, v1  }
0x19a: {  	vm1 =	vge.f32 v7, $1.600000000e+06;
	v3 =	vnsel vm13, $0x0, v3;
	v12, _, _ =	vpop (xrf2)  }
0x19b: {  	v7 =	vmpcnt.ones.xlane vm1;
	(xrf2) =	vadd.scan.msk.f32 $0xffff, v3;
	v3 =	vperm.xlane v11, v0;
	v13 =	vnsel vm13, $0x0, v12  }
0x19c: {  	s15 =	rddreg [dreg:$0x5];
	(xrf2) =	vadd.scan.msk.f32 $0xffff, v13  }
0x19d: {  	s5 =	sor.u32 s15, s9;
	(v2sf) =	vpush v7, $0x0;
	(xrf2) =	vadd.scan.msk.f32 $0xffff, v3  }
0x19e: {  	v7 =	vmov s5  }
0x19f: {  	v7 =	vshll.u32 v7, $0x10  }
0x1a0: {  	v7 =	vor.u32 v2, v7  }
0x1a1: {  	v13 =	vor.u32 $0x8000, v7  }
0x1a2: {  	v6 =	vmul.f32 v13, v6  }
0x1a3: {  	v5 =	vnsel vm13, $0x0, v5  }
0x1a4: {  	(xrf2) =	vadd.scan.msk.f32 $0xffff, v5;
	v6 =	vperm.xlane v6, v0  }
0x1a5: {  	s16 =	spop (v2sf);
	v7, _, _ =	vpop (xrf2)  }
0x1a6: {  	s5 =	sadd.f32 s16, s2;
	(xrf2) =	vadd.scan.msk.f32 $0xffff, v6;
	v5, _, _ =	vpop (xrf2)  }
0x1a7: {  	s17 =	simm.s32 $0x30;
	s18 =	simm.s32 $0x30;
	(v2sf) =	vpush v5, $0xF;
	v5, _, _ =	vpop (xrf2)  }
0x1a8: {  	s12 =	sxor.u32 $0xFFFFFFFF, s18;
	s9 =	sand.u32 $0xFFFFFF80, s17;
	v14 =	vadd.f32 s5, v5  }
0x1a9: {  	s12 =	sand.u32 $0x70, s12;
	s9 =	sxor.u32 $0x780, s9  }
0x1aa: {  	s12 =	sor.u32 s12, s9;
	vm14 =	vge.f32 v14, $1.600000000e+06  }
0x1ab: {  	s19 =	sor.u32 $0xA000, s12;
	(v2sf) =	vpush v7, $0xF;
	v14 =	vmpcnt.ones.xlane vm14  }
0x1ac: {  	s9 =	spop (v2sf);
	v7 =	vld [tilespmem:s19+$0x0];
	(v2sf) =	vpush v5, $0xF  }
0x1ad: {  	v9 =	vperm.xlane v9, v0;
	s20 =	ssub.s32 $0x10, s9;
	(v2sf) =	vpush v14, $0x0  }
0x1ae: {  	v4 =	vnsel vm13, $0x0, v4;
	v15, _, _ =	vpop (xrf2);
	v14 =	vmov s20  }
0x1af: {  	(xrf2) =	vadd.scan.msk.f32 $0xffff, v4;
	v4 =	vnsel vm13, $0x0, v9;
	vm15 =	veq.s32 v14, v1;
	(v2sf) =	vpush v15, $0xF  }
0x1b0: {  	(xrf2) =	vadd.scan.msk.f32 $0xffff, v4;
	v4 =	vnsel vm15, $0x0, v6;
	v6, _, _ =	vpop (xrf2)  }
0x1b1: {  	(xrf2) =	vadd.scan.msk.f32 $0xffff, v4;
	v9 =	vnsel vm15, $0x0, v6;
	v4 =	vperm.xlane v7, v0  }
0x1b2: {  	s21 =	rddreg [dreg:$0x5];
	(xrf2) =	vadd.scan.msk.f32 $0xffff, v9  }
0x1b3: {  	s8 =	sadd.f32 s8, s6;
	s22 =	sor.u32 s21, s29;
	(xrf2) =	vadd.scan.msk.f32 $0xffff, v4  }
0x1b4: {  	s3 =	smov.u32 @p0 s7;
	v9 =	vmov s22  }
0x1b5: {  	p0 =	por $0x0, $0x0;
	s3 =	smov.u32 @p1 s6;
	s6 =	sadd.f32 s10, s8;
	v9 =	vshll.u32 v9, $0x10  }
0x1b6: {  	s7 =	simm.f32 $0.0e+00;
	p6 =	por !p0, !p0;
	s3 =	smov.u32 @p2 s8;
	v9 =	vor.u32 v2, v9  }
0x1b7: {  	s3 =	smov.u32 @p3 s6;
	s6 =	simm.f32 $0.0e+00;
	s13 =	simm.s32 $0x40;
	v9 =	vor.u32 $0x8000, v9  }
0x1b8: {  	s28 =	simm.s32 $0x40;
	s29 =	sxor.u32 $0xFFFFFFFF, s13;
	v11 =	vmul.f32 v9, v11;
	s23 =	spop (v2sf)  }
0x1b9: {  	s30 =	sand.u32 $0xFFFFFF80, s28;
	p1 =	sgt.s32 s31, $0x0;
	v14, _, _ =	vpop (xrf2);
	s24 =	sadd.f32 s23, s3  }
0x1ba: {  	s15 =	sxor.u32 $0x780, s30;
	p2 =	por !p1, !p6;
	v15 =	vnsel vm15, $0x0, v10;
	(v2sf) =	vpush v14, $0xF;
	v14, _, _ =	vpop (xrf2);
	s25 =	spop (v2sf);
	v10 =	vperm.xlane v11, v0  }
0x1bb: {  	s14 =	sand.u32 $0x70, s29;
	(xrf2) =	vadd.scan.msk.f32 $0xffff, v15;
	(v2sf) =	vpush v14, $0xF;
	v11 =	vperm.xlane v13, v0;
	s26 =	spop (v2sf);
	s8 =	ssub.f32 s24, s25;
	v13, _, _ =	vpop (xrf2)  }
0x1bc: {  	p2 =	por !p2, !p2;
	v14 =	vnsel vm15, $0x0, v8;
	(v2sf) =	vpush v12, $0xF;
	s10 =	sadd.f32 s26, s5;
	(xrf2) =	vadd.scan.msk.f32 $0xffff, v10;
	v12, _, _ =	vpop (xrf2);
	s11 =	spop (v2sf)  }
0x1bd: {  	s16 =	sor.u32 s14, s15;
	s15 =	simm.s32 $0x5;
	v8 =	vperm.xlane v9, v0;
	v15 =	vnsel vm15, $0x0, v11;
	(xrf2) =	vadd.scan.msk.f32 $0xffff, v14;
	(v2sf) =	vpush v12, $0xF;
	v9, _, _ =	vpop (xrf2);
	s31 =	ssub.s32 $0x10, s11  }
0x1be: {  	s7 =	smov.u32 @p2 s8;
	(xrf2) =	vadd.scan.msk.f32 $0xffff, v15;
	s8 =	simm.f32 $0.0e+00;
	(v2sf) =	vpush v13, $0xF;
	v11 =	vadd.f32 s10, v9;
	s14 =	spop (v2sf);
	v12 =	vmov s31  }
.LBB2_16:
0x1bf: {  	_ =	sdelay $0x6  }
0x1c0: {  	(v2sf) =	vpush v9, $0xF;
	vm0 =	vge.f32 v11, $1.600000000e+06  }
0x1c1: {  	s17 =	sor.u32 $0xA000, s16;
	v17 =	vmpcnt.ones.xlane vm0  }
0x1c2: {  	vm1 =	veq.s32 v12, v1;
	v12 =	vld [tilespmem:s17+$0x0]  }
0x1c3: {  	s23 =	spop (v2sf);
	(v2sf) =	vpush v17, $0x0  }
0x1c4: {  	v11, _, _ =	vpop (xrf2)  }
0x1c5: {  	v10 =	vnsel vm1, $0x0, v10;
	v13, _, _ =	vpop (xrf2);
	s17 =	spop (v2sf);
	(v2sf) =	vpush v11, $0xF  }
0x1c6: {  	v15 =	vnsel vm1, $0x0, v3;
	v3 =	vmovc v4;
	(xrf2) =	vadd.scan.msk.f32 $0xffff, v10;
	v4 =	vnsel vm1, $0x0, v13  }
0x1c7: {  	(xrf2) =	vadd.scan.msk.f32 $0xffff, v4;
	v4 =	vperm.xlane v12, v0  }
0x1c8: {  	p3 =	sne.s32 s15, $0x7F;
	s18 =	rddreg [dreg:$0x5]  }
0x1c9: {  	s14 =	sadd.f32 s14, s4;
	s4 =	smov.u32 s2;
	v14 =	vnsel vm1, $0x0, v5;
	v5 =	vmov v9;
	s12 =	sor.u32 s18, s12;
	v9, _, _ =	vpop (xrf2);
	(xrf2) =	vadd.scan.msk.f32 $0xffff, v4  }
0x1ca: {  	s2 =	smov.u32 s5;
	s5 =	smov.u32 s10;
	p0 =	por p0, p1;
	v16 =	vnsel vm1, $0x0, v8;
	v8 =	vmov s12  }
0x1cb: {  	p1 =	sgt.s32 s9, $0x0;
	v8 =	vshll.u32 v8, $0x10;
	s14 =	ssub.f32 s14, s23;
	s24 =	spop (v2sf)  }
0x1cc: {  	s9 =	smov.u32 s11;
	s29 =	sshll.u32 s15, $0x4;
	v8 =	vor.u32 v2, v8;
	s3 =	sadd.f32 s24, s3  }
0x1cd: {  	s13 =	sadd.s32 $0x10, s13;
	p6 =	por !p0, !p0;
	v8 =	vor.u32 $0x8000, v8;
	s25 =	spop (v2sf)  }
0x1ce: {  	v10 =	vmul.f32 v8, v7;
	s6 =	smov.u32 @p2 s14;
	s26 =	spop (v2sf);
	s14 =	sadd.f32 s25, s3  }
0x1cf: {  	s30 =	sxor.u32 $0xFFFFFFFF, s13;
	s8 =	smov.u32 @p2 s17;
	s28 =	spop (v2sf)  }
.Ltmp7:
0x1d0: {  	v10 =	vperm.xlane v10, v0;
	(v2sf) =	vpush v9, $0xF;
	v9, _, _ =	vpop (xrf2);
	p2 =	por !p1, !p6;
	s14 =	ssub.f32 s14, s26;
	(pc) =	sbr.rel @p3 .LBB2_16-.Ltmp7, $4  }
0x1d1: {  	s12 =	smov.u32 s16;
	(xrf2) =	vadd.scan.msk.f32 $0xffff, v14;
	(v2sf) =	vpush v9, $0xF;
	p2 =	por !p2, !p2;
	v11, _, _ =	vpop (xrf2);
	s10 =	sadd.f32 s28, s10  }
0x1d2: {  	(v2sf) =	vpush v6, $0xF;
	(xrf2) =	vadd.scan.msk.f32 $0xffff, v10;
	v9, _, _ =	vpop (xrf2);
	s7 =	smov.u32 @p2 s14;
	s14 =	sand.u32 $0xFFFFFF80, s29;
	s11 =	spop (v2sf)  }
0x1d3: {  	s16 =	sand.u32 $0x70, s30;
	v8 =	vperm.xlane v8, v0;
	v7 =	vmov v12;
	(xrf2) =	vadd.scan.msk.f32 $0xffff, v15;
	(v2sf) =	vpush v9, $0xF;
	s14 =	sxor.u32 $0x780, s14;
	v9, _, _ =	vpop (xrf2);
	s31 =	ssub.s32 $0x10, s11  }
0x1d4: {  	s15 =	sadd.s32 $0x1, s15;
	v6 =	vmovc v13;
	s16 =	sor.u32 s16, s14;
	(xrf2) =	vadd.scan.msk.f32 $0xffff, v16;
	(v2sf) =	vpush v11, $0xF;
	v11 =	vadd.f32 s10, v9;
	s14 =	spop (v2sf);
	v12 =	vmov s31  }
0x1d5: {  	_ =	sdelay $0x1  }
0x1d6: {  	s13 =	sor.u32 $0xA000, s16  }
0x1d7: {  	(v2sf) =	vpush v9, $0xF;
	v13 =	vld [tilespmem:s13+$0x0];
	_ =	sdelay $0x2  }
0x1d8: {  	vm0 =	veq.s32 v12, v1;
	v25, _, _ =	vpop (xrf2)  }
0x1d9: {  	v10 =	vnsel vm0, $0x0, v10;
	v14, _, _ =	vpop (xrf2)  }
0x1da: {  	(xrf2) =	vadd.scan.msk.f32 $0xffff, v10;
	v15 =	vperm.xlane v13, v0;
	v26 =	vnsel vm0, $0x0, v14  }
0x1db: {  	vm1 =	vge.f32 v11, $1.600000000e+06;
	(xrf2) =	vadd.scan.msk.f32 $0xffff, v26  }
0x1dc: {  	v27 =	vmpcnt.ones.xlane vm1;
	(xrf2) =	vadd.scan.msk.f32 $0xffff, v15  }
0x1dd: {  	s25 =	rddreg [dreg:$0x5]  }
0x1de: {  	s12 =	sor.u32 s25, s12;
	(v2sf) =	vpush v27, $0x0  }
0x1df: {  	v28 =	vmov s12;
	s18 =	spop (v2sf)  }
0x1e0: {  	v10 =	vshll.u32 v28, $0x10;
	s15 =	spop (v2sf)  }
0x1e1: {  	v10 =	vor.u32 v2, v10;
	s20 =	spop (v2sf)  }
0x1e2: {  	v29, _, _ =	vpop (xrf2);
	v10 =	vor.u32 $0x8000, v10;
	s19 =	spop (v2sf)  }
0x1e3: {  	v16, _, _ =	vpop (xrf2);
	v7 =	vmul.f32 v10, v7;
	s17 =	spop (v2sf)  }
0x1e4: {  	s26 =	spop (v2sf);
	v17, _, _ =	vpop (xrf2)  }
0x1e5: {  	v5 =	vnsel vm0, $0x0, v5;
	v7 =	vperm.xlane v7, v0;
	(v2sf) =	vpush v25, $0xF;
	s12 =	sadd.f32 s26, s10;
	v30, _, _ =	vpop (xrf2)  }
0x1e6: {  	(xrf2) =	vadd.scan.msk.f32 $0xffff, v5;
	(v2sf) =	vpush v29, $0xF;
	v31, _, _ =	vpop (xrf2)  }
0x1e7: {  	(v2sf) =	vpush v16, $0xF;
	(xrf2) =	vadd.scan.msk.f32 $0xffff, v7;
	v32 =	vadd.f32 s12, v31  }
0x1e8: {  	(v2sf) =	vpush v6, $0xF  }
0x1e9: {  	(v2sf) =	vpush v30, $0xF;
	vm13 =	vge.f32 v32, $1.600000000e+06  }
0x1ea: {  	(v2sf) =	vpush v17, $0xF;
	v33 =	vmpcnt.ones.xlane vm13  }
0x1eb: {  	s28 =	rddreg [dreg:$0x5];
	(v2sf) =	vpush v31, $0xF  }
0x1ec: {  	s29 =	sor.u32 s28, s16;
	(v2sf) =	vpush v33, $0x0  }
0x1ed: {  	v34 =	vmov s29;
	s13 =	spop (v2sf)  }
0x1ee: {  	v6 =	vshll.u32 v34, $0x10;
	s30 =	ssub.s32 $0x10, s13  }
0x1ef: {  	v3 =	vnsel vm0, $0x0, v3;
	v36 =	vor.u32 v2, v6;
	v35 =	vmov s30  }
0x1f0: {  	v37 =	vnsel vm0, $0x0, v8;
	v2 =	vor.u32 $0x8000, v36;
	(xrf2) =	vadd.scan.msk.f32 $0xffff, v3;
	v38, _, _ =	vpop (xrf2);
	vm14 =	veq.s32 v35, v1  }
0x1f1: {  	v41 =	vmul.f32 v2, v13;
	(xrf2) =	vadd.scan.msk.f32 $0xffff, v37;
	v39 =	vnsel vm14, $0x0, v7;
	v40, _, _ =	vpop (xrf2)  }
0x1f2: {  	(xrf2) =	vadd.scan.msk.f32 $0xffff, v39;
	v42 =	vnsel vm14, $0x0, v40  }
0x1f3: {  	v44 =	vperm.xlane v41, v0;
	v43 =	vnsel vm14, $0x0, v9;
	(xrf2) =	vadd.scan.msk.f32 $0xffff, v42  }
0x1f4: {  	s25 =	spop (v2sf);
	(xrf2) =	vadd.scan.msk.f32 $0xffff, v43  }
0x1f5: {  	s26 =	spop (v2sf);
	(xrf2) =	vadd.scan.msk.f32 $0xffff, v44  }
0x1f6: {  	s23 =	spop (v2sf)  }
0x1f7: {  	s24 =	spop (v2sf)  }
0x1f8: {  	s22 =	spop (v2sf)  }
0x1f9: {  	s21 =	spop (v2sf)  }
0x1fa: {  	v45, _, _ =	vpop (xrf2);
	s31 =	spop (v2sf)  }
0x1fb: {  	v46, _, _ =	vpop (xrf2);
	s16 =	spop (v2sf)  }
0x1fc: {  	v10 =	vperm.xlane v10, v0;
	v47, _, _ =	vpop (xrf2);
	s28 =	ssub.s32 $0x10, s16  }
0x1fd: {  	v4 =	vnsel vm14, $0x0, v4;
	v49, _, _ =	vpop (xrf2);
	v48 =	vmov s28  }
0x1fe: {  	v10 =	vnsel vm14, $0x0, v10;
	(xrf2) =	vadd.scan.msk.f32 $0xffff, v4;
	v50, _, _ =	vpop (xrf2);
	vm15 =	veq.s32 v48, v1  }
0x1ff: {  	(xrf2) =	vadd.scan.msk.f32 $0xffff, v10;
	v51, _, _ =	vpop (xrf2);
	v6 =	vnsel vm15, $0x0, v44  }
0x200: {  	v52 =	vnsel vm15, $0x0, v51;
	(xrf2) =	vadd.scan.msk.f32 $0xffff, v6  }
0x201: {  	(v2sf) =	vpush v38, $0xF;
	(xrf2) =	vadd.scan.msk.f32 $0xffff, v52  }
0x202: {  	v53 =	vnsel vm15, $0x0, v31  }
0x203: {  	(v2sf) =	vpush v45, $0xF;
	(xrf2) =	vadd.scan.msk.f32 $0xffff, v53  }
0x204: {  	(v2sf) =	vpush v46, $0xF;
	v54 =	vnsel vm15, $0x0, v15  }
0x205: {  	(v2sf) =	vpush v14, $0xF;
	(xrf2) =	vadd.scan.msk.f32 $0xffff, v54  }
0x206: {  	v55 =	vperm.xlane v2, v0;
	(v2sf) =	vpush v49, $0xF  }
0x207: {  	(v2sf) =	vpush v47, $0xF  }
0x208: {  	v56, _, _ =	vpop (xrf2);
	(v2sf) =	vpush v50, $0xF;
	v0 =	vnsel vm15, $0x0, v55  }
0x209: {  	(v2sf) =	vpush v56, $0xF;
	v57, _, _ =	vpop (xrf2);
	(xrf2) =	vadd.scan.msk.f32 $0xffff, v0  }
0x20a: {  	(v2sf) =	vpush v57, $0xF;
	v58, _, _ =	vpop (xrf2)  }
0x20b: {  	(v2sf) =	vpush v40, $0xF;
	v59, _, _ =	vpop (xrf2)  }
0x20c: {  	s3 =	sadd.f32 s20, s3;
	(v2sf) =	vpush v59, $0xF  }
0x20d: {  	s4 =	sadd.f32 s14, s4;
	p0 =	por p0, p1;
	v60, _, _ =	vpop (xrf2);
	(v2sf) =	vpush v58, $0xF  }
0x20e: {  	p5 =	sgt.s32 s9, $0x0;
	p6 =	sgt.s32 s11, $0x0;
	s20 =	sadd.f32 s19, s3;
	(v2sf) =	vpush v60, $0xF  }
0x20f: {  	p3 =	por !p0, !p0;
	p0 =	por p0, p5;
	s4 =	ssub.f32 s4, s18;
	v61, _, _ =	vpop (xrf2)  }
0x210: {  	p3 =	por !p5, !p3;
	s9 =	ssub.f32 s20, s17;
	s28 =	spop (v2sf);
	(v2sf) =	vpush v61, $0xF  }
0x211: {  	p3 =	por !p3, !p3;
	s8 =	smov.u32 @p2 s15;
	s2 =	sadd.f32 s25, s2  }
0x212: {  	s6 =	smov.u32 @p2 s4;
	s7 =	smov.u32 @p3 s9;
	s29 =	spop (v2sf)  }
0x213: {  	p4 =	sgt.s32 s13, $0x0;
	s2 =	ssub.f32 s2, s26;
	s11 =	spop (v2sf);
	v62, _, _ =	vpop (xrf2)  }
0x214: {  	s8 =	smov.u32 @p3 s23;
	s26 =	sadd.f32 s24, s3;
	s31 =	spop (v2sf);
	(v2sf) =	vpush v62, $0xF  }
0x215: {  	s6 =	smov.u32 @p3 s2;
	p3 =	por !p0, !p0;
	s15 =	spop (v2sf)  }
0x216: {  	p0 =	por p0, p6;
	s30 =	sadd.f32 s22, s26;
	s17 =	spop (v2sf)  }
0x217: {  	p2 =	por !p6, !p3;
	s3 =	sadd.f32 s28, s5;
	s18 =	spop (v2sf)  }
0x218: {  	p5 =	por !p0, !p0;
	s9 =	ssub.f32 s30, s21;
	s19 =	spop (v2sf)  }
0x219: {  	p0 =	por p0, p4;
	s3 =	ssub.f32 s3, s29;
	s5 =	spop (v2sf)  }
0x21a: {  	p2 =	por !p2, !p2;
	s2 =	sadd.f32 s31, s26;
	s21 =	spop (v2sf)  }
0x21b: {  	p0 =	por !p0, !p0;
	s4 =	sadd.f32 s18, s10;
	s22 =	spop (v2sf)  }
0x21c: {  	s7 =	smov.u32 @p2 s9;
	s20 =	sadd.f32 s15, s2;
	s23 =	spop (v2sf)  }
0x21d: {  	p6 =	sgt.s32 s16, $0x0;
	s4 =	ssub.f32 s4, s19;
	s24 =	spop (v2sf)  }
0x21e: {  	s8 =	smov.u32 @p2 s11;
	s6 =	smov.u32 @p2 s3;
	s10 =	sadd.f32 s24, s12  }
0x21f: {  	p2 =	por !p4, !p5;
	s2 =	sadd.f32 s21, s2;
	(v2sf) =	vpush v51, $0xF;
	s25 =	spop (v2sf)  }
0x220: {  	p0 =	por !p6, !p0;
	p2 =	por !p2, !p2;
	s10 =	ssub.f32 s10, s25  }
0x221: {  	p0 =	por !p0, !p0;
	s3 =	ssub.f32 s20, s17;
	s6 =	smov.u32 @p2 s4  }
0x222: {  	s2 =	sadd.f32 s22, s2;
	s6 =	smov.u32 @p0 s10  }
0x223: {  	s8 =	smov.u32 @p2 s5;
	s4 =	spop (v2sf);
	s26 =	ssub.f32 $1.600000000e+06, s6  }
0x224: {  	s2 =	ssub.f32 s2, s23;
	s8 =	smov.u32 @p0 s4  }
0x225: {  	s7 =	smov.u32 @p2 s3;
	s28 =	smul.f32 s8, s26  }
0x226: {  	s7 =	smov.u32 @p0 s2  }
0x227: {  	s2 =	sadd.f32 s28, s7;
	_ =	sdelay $0x1  }
0x228: {  	s2 =	smul.f32 $6.249999840e-07, s2;
	_ =	sdelay $0x1  }
0x229: {  	v63 =	vmov s2  }
0x22a: {  	s30 =	simm.s32 $0xA900;
	s29 =	simm.s32 $0x0;
	[tilespmem:$0xA900] =	vst v63  }
0x22b: {  	[hbm4b:s1+s29] =	stream.linear.scatter [tilespmem:s30], [sflag:$0x3], $0x80, $0x38;
	[tilespmem:$0xB990] =	vst v63  }
0x22c: {  	s31 =	spop (v2sf);
	s1 =	simm.s32 $0x3  }
0x22d: {  	_ =	swait.ge [sflag:s1], $0x80  }
0x22e: {  	[sflag:s1] =	ssyncset.done $0x0  }
0x22f: {  	[sflag:s1] =	ssyncadd.s32 $0xFFFFFF80  }
0x230: {  	_ =	sfence.sel $0x180000  }
0x231: {  	[bflag:$0x0] =	sbarrier.arrive $0xFFFF  }
0x232: {  	_ =	strace $0x90000047  }
0x233: {  	s0 =	sadd.s32 $0x100000, s0;
	[bflag:$0x2] =	sbarrier.arrive $0xFFFF  }
0x234: {  	[sflag:s0] =	ssyncadd.tile.s32 $0x1;
	_ =	shalt  }
.Lfunc_end2:
_tile_overlayer_lowered:
.L_overlay_start_2:
0x235: {  	(tag) =	ssettag $0x2  }
0x236: {  	s0 =	rddreg [dreg:$0x0];
	s2 =	stileid.u32  }
0x237: {  	s1 =	rddreg [dreg:$0x1];
	p0 =	sne.s32 s2, $0x0  }
0x238: {  	s3 =	rddreg [dreg:$0x2];
	[bflag:$0x3] =	sbarrier.arrive $0xFFFF;
	s2 =	simm.s32 @!p0 $0x1C03  }
0x239: {  	[timem:s3], [sflag:s2] =	dma.local @!p0 [hbm:s0], s1  }
0x23a: {  	s0 =	simm.s32 @!p0 $0x3  }
0x23b: {  	_ =	swait.ge @!p0 [sflag:s0], s1  }
0x23c: {  	s1 =	ssub.s32 @!p0 $0x0, s1;
	[sflag:s0] =	ssyncset.done @!p0 $0x0  }
0x23d: {  	[sflag:s0] =	ssyncadd.s32 @!p0 s1  }
0x23e: {  	[bflag:$0x3] =	sbarrier.arrive $0xFFFF  }
0x23f: {  	_ =	shalt  }

</sc_bundles>
